<compile_context>
chip_gen: v7x
topology: tpu7x:2x2x1
jax: 0.10.2.dev20260603
libtpu: 0.0.44.dev20260713+nightly
codegen_flags: <defaults>
</compile_context>

<pallas_src>
import functools

import jax
import jax.numpy as jnp
from jax import lax
from jax.experimental import pallas as pl
from jax.experimental.pallas import tpu as pltpu
from jax.experimental.pallas import tpu_sc as plsc

N = 8192
D = 2048
HALF = N // 2
NUM_SUBCORES = 16
ROWS = HALF // NUM_SUBCORES
RB = 24
CB = 10
RT = ROWS - RB * CB
NSLOT = 2


def _body(x, out, buf, idx, in_sems, out_sems):
    h = lax.axis_index("c")
    t = lax.axis_index("s")
    o0 = h * HALF + t * ROWS
    lane = lax.iota(jnp.int32, 16)

    for k in range(CB + 1):
        base = (t * ROWS + RB * k) * 2 + h
        idx[k, pl.ds(0, 16)] = base + 2 * lane
        if k < CB:
            idx[k, pl.ds(8, 16)] = base + 2 * (lane + 8)

    def in_desc(k, slot, n):
        return pltpu.make_async_copy(
            x.at[idx.at[k, pl.ds(0, n)]],
            buf.at[slot, pl.ds(0, n)],
            in_sems.at[slot],
        )

    def out_desc(k, slot, n):
        return pltpu.make_async_copy(
            buf.at[slot, pl.ds(0, n)],
            out.at[pl.ds(o0 + RB * k, n)],
            out_sems.at[slot],
        )

    @pl.loop(0, CB)
    def _chunk(g):
        slot = lax.rem(g, NSLOT)

        @pl.when(g >= NSLOT)
        def _():
            out_desc(g - NSLOT, slot, RB).wait()

        in_desc(g, slot, RB).start()

        @pl.when(g >= 1)
        def _():
            in_desc(g - 1, 1 - slot, RB).wait()
            out_desc(g - 1, 1 - slot, RB).start()

    out_desc(CB - NSLOT, CB % NSLOT, RB).wait()
    in_desc(CB, CB % NSLOT, RT).start()
    in_desc(CB - 1, (CB - 1) % NSLOT, RB).wait()
    out_desc(CB - 1, (CB - 1) % NSLOT, RB).start()
    in_desc(CB, CB % NSLOT, RT).wait()
    out_desc(CB, CB % NSLOT, RT).start()
    out_desc(CB - 1, (CB - 1) % NSLOT, RB).wait()
    out_desc(CB, CB % NSLOT, RT).wait()


@jax.jit
def _shuffle(x):
    mesh = plsc.VectorSubcoreMesh(core_axis_name="c", subcore_axis_name="s")
    return pl.kernel(
        _body,
        out_type=jax.ShapeDtypeStruct((N, D), jnp.float32),
        mesh=mesh,
        scratch_types=[
            pltpu.VMEM((NSLOT, RB, D), jnp.float32),
            pltpu.VMEM((CB + 1, 32), jnp.int32),
            pltpu.SemaphoreType.DMA((NSLOT,)),
            pltpu.SemaphoreType.DMA((NSLOT,)),
        ],
    )(x)


def kernel(inputs):
    return _shuffle(inputs)

# --- scband reference (transcript-rebuilt; emitter-appended) ---
"""Pipeline reference for scband-shuffle-layer-10857677325065 (READ-ONLY COPY).

The authoritative reference and input builder live on the scoring server;
editing this copy changes nothing except your own understanding.
"""

import jax, jax.numpy as jnp
import numpy as np


def _rol_indices(n):
    # left quaternary cyclic shift index permutation (rol)
    rol0 = (jnp.arange((n + 1) // 2, dtype=jnp.int32) * 2) % n
    rol1 = (jnp.arange(n // 2, dtype=jnp.int32) * 2 + 1) % n
    return jnp.concatenate([rol0, rol1], axis=0)


def setup_inputs(seed: int = 0) -> dict:
    key = jax.random.key(seed)
    x = jax.random.normal(key, (8192, 2048), dtype=jnp.float32)
    return {"inputs": x}


def reference(inputs):
    do_ror = False  # init kwarg
    n = inputs.shape[0]
    rev_indices_rol = _rol_indices(n)
    if do_ror:
        # invert_permutation of a permutation == argsort
        rev_indices = jnp.argsort(rev_indices_rol)
    else:
        rev_indices = rev_indices_rol
    return jnp.take(inputs, rev_indices, axis=0)

if __name__ == "__main__":
    import jax
    _d = setup_inputs()
    print(jax.jit(kernel)(*tuple(_d.values())))

</pallas_src>

<mosaic_0001>
#map = affine_map<(d0, d1) -> (0, 0)>
module attributes {stable_mosaic.version = 14 : i64} {
  func.func @_body(%arg0: i32, %arg1: i32, %arg2: memref<8192x2048xf32, #tpu.memory_space<hbm>>, %arg3: memref<8192x2048xf32, #tpu.memory_space<hbm>>, %arg4: memref<2x24x2048xf32, #tpu.memory_space<vmem>>, %arg5: memref<11x32xi32, #tpu.memory_space<vmem>>, %arg6: memref<2x!tpu.dma_semaphore, #tpu.memory_space<semaphore_mem>>, %arg7: memref<2x!tpu.dma_semaphore, #tpu.memory_space<semaphore_mem>>) attributes {dimension_semantics = [#tpu.dimension_semantics<core_parallel>, #tpu.dimension_semantics<subcore_parallel>], iteration_bounds = array<i64: 2, 16>, scalar_prefetch = 0 : i64, scratch_operands = 4 : i64, tpu.core_type = #tpu.core_type<sc_vector_subcore>, window_params = [{transform_indices = #map}, {transform_indices = #map}]} {
    %mul3A = arith.constant 4096 : i32
    %mul3A_0 = arith.muli %arg0, %mul3A : i32
    %mul3A_1 = arith.constant 256 : i32
    %mul3A_2 = arith.muli %arg1, %mul3A_1 : i32
    %add3A = arith.addi %mul3A_0, %mul3A_2 : i32
    %iota3A = tpu.iota {dimensions = array<i32: 0>} : vector<16xi32>
    %mul3A_3 = arith.constant 256 : i32
    %mul3A_4 = arith.muli %arg1, %mul3A_3 : i32
    %add3A_5 = arith.constant 0 : i32
    %add3A_6 = arith.addi %mul3A_4, %add3A_5 : i32
    %mul3A_7 = arith.constant 2 : i32
    %mul3A_8 = arith.muli %add3A_6, %mul3A_7 : i32
    %add3A_9 = arith.addi %mul3A_8, %arg0 : i32
    %mul3A_10 = arith.constant 2 : i32
    %mul3A_11 = vector.broadcast %mul3A_10 : i32 to vector<16xi32>
    %mul3A_12 = arith.muli %mul3A_11, %iota3A : vector<16xi32>
    %add3A_13 = vector.broadcast %add3A_9 : i32 to vector<16xi32>
    %add3A_14 = arith.addi %add3A_13, %mul3A_12 : vector<16xi32>
    %swap3A = arith.constant 0 : i32
    %swap3A_15 = arith.index_cast %swap3A : i32 to index
    %swap3A_16 = arith.constant 0 : index
    %swap3A_17 = tpu.vector_load %arg5[%swap3A_15, %swap3A_16] {strides = array<i32>} : memref<11x32xi32, #tpu.memory_space<vmem>>, vector<1x16xi32>,
    %swap3A_18 = vector.shape_cast %swap3A_17 : vector<1x16xi32> to vector<16xi32>
    %swap3A_19 = vector.shape_cast %add3A_14 : vector<16xi32> to vector<1x16xi32>
    tpu.vector_store %arg5[%swap3A_15, %swap3A_16], %swap3A_19 {strides = array<i32>} : memref<11x32xi32, #tpu.memory_space<vmem>>, vector<1x16xi32>,
    %add3A_20 = arith.constant 8 : i32
    %add3A_21 = vector.broadcast %add3A_20 : i32 to vector<16xi32>
    %add3A_22 = arith.addi %iota3A, %add3A_21 : vector<16xi32>
    %mul3A_23 = arith.constant 2 : i32
    %mul3A_24 = vector.broadcast %mul3A_23 : i32 to vector<16xi32>
    %mul3A_25 = arith.muli %mul3A_24, %add3A_22 : vector<16xi32>
    %add3A_26 = vector.broadcast %add3A_9 : i32 to vector<16xi32>
    %add3A_27 = arith.addi %add3A_26, %mul3A_25 : vector<16xi32>
    %swap3A_28 = arith.constant 0 : i32
    %swap3A_29 = arith.index_cast %swap3A_28 : i32 to index
    %swap3A_30 = arith.constant 8 : index
    %swap3A_31 = tpu.vector_load %arg5[%swap3A_29, %swap3A_30] {strides = array<i32>} : memref<11x32xi32, #tpu.memory_space<vmem>>, vector<1x16xi32>,
    %swap3A_32 = vector.shape_cast %swap3A_31 : vector<1x16xi32> to vector<16xi32>
    %swap3A_33 = vector.shape_cast %add3A_27 : vector<16xi32> to vector<1x16xi32>
    tpu.vector_store %arg5[%swap3A_29, %swap3A_30], %swap3A_33 {strides = array<i32>} : memref<11x32xi32, #tpu.memory_space<vmem>>, vector<1x16xi32>,
    %mul3A_34 = arith.constant 256 : i32
    %mul3A_35 = arith.muli %arg1, %mul3A_34 : i32
    %add3A_36 = arith.constant 24 : i32
    %add3A_37 = arith.addi %mul3A_35, %add3A_36 : i32
    %mul3A_38 = arith.constant 2 : i32
    %mul3A_39 = arith.muli %add3A_37, %mul3A_38 : i32
    %add3A_40 = arith.addi %mul3A_39, %arg0 : i32
    %mul3A_41 = arith.constant 2 : i32
    %mul3A_42 = vector.broadcast %mul3A_41 : i32 to vector<16xi32>
    %mul3A_43 = arith.muli %mul3A_42, %iota3A : vector<16xi32>
    %add3A_44 = vector.broadcast %add3A_40 : i32 to vector<16xi32>
    %add3A_45 = arith.addi %add3A_44, %mul3A_43 : vector<16xi32>
    %swap3A_46 = arith.constant 1 : i32
    %swap3A_47 = arith.index_cast %swap3A_46 : i32 to index
    %swap3A_48 = arith.constant 0 : index
    %swap3A_49 = tpu.vector_load %arg5[%swap3A_47, %swap3A_48] {strides = array<i32>} : memref<11x32xi32, #tpu.memory_space<vmem>>, vector<1x16xi32>,
    %swap3A_50 = vector.shape_cast %swap3A_49 : vector<1x16xi32> to vector<16xi32>
    %swap3A_51 = vector.shape_cast %add3A_45 : vector<16xi32> to vector<1x16xi32>
    tpu.vector_store %arg5[%swap3A_47, %swap3A_48], %swap3A_51 {strides = array<i32>} : memref<11x32xi32, #tpu.memory_space<vmem>>, vector<1x16xi32>,
    %add3A_52 = arith.constant 8 : i32
    %add3A_53 = vector.broadcast %add3A_52 : i32 to vector<16xi32>
    %add3A_54 = arith.addi %iota3A, %add3A_53 : vector<16xi32>
    %mul3A_55 = arith.constant 2 : i32
    %mul3A_56 = vector.broadcast %mul3A_55 : i32 to vector<16xi32>
    %mul3A_57 = arith.muli %mul3A_56, %add3A_54 : vector<16xi32>
    %add3A_58 = vector.broadcast %add3A_40 : i32 to vector<16xi32>
    %add3A_59 = arith.addi %add3A_58, %mul3A_57 : vector<16xi32>
    %swap3A_60 = arith.constant 1 : i32
    %swap3A_61 = arith.index_cast %swap3A_60 : i32 to index
    %swap3A_62 = arith.constant 8 : index
    %swap3A_63 = tpu.vector_load %arg5[%swap3A_61, %swap3A_62] {strides = array<i32>} : memref<11x32xi32, #tpu.memory_space<vmem>>, vector<1x16xi32>,
    %swap3A_64 = vector.shape_cast %swap3A_63 : vector<1x16xi32> to vector<16xi32>
    %swap3A_65 = vector.shape_cast %add3A_59 : vector<16xi32> to vector<1x16xi32>
    tpu.vector_store %arg5[%swap3A_61, %swap3A_62], %swap3A_65 {strides = array<i32>} : memref<11x32xi32, #tpu.memory_space<vmem>>, vector<1x16xi32>,
    %mul3A_66 = arith.constant 256 : i32
    %mul3A_67 = arith.muli %arg1, %mul3A_66 : i32
    %add3A_68 = arith.constant 48 : i32
    %add3A_69 = arith.addi %mul3A_67, %add3A_68 : i32
    %mul3A_70 = arith.constant 2 : i32
    %mul3A_71 = arith.muli %add3A_69, %mul3A_70 : i32
    %add3A_72 = arith.addi %mul3A_71, %arg0 : i32
    %mul3A_73 = arith.constant 2 : i32
    %mul3A_74 = vector.broadcast %mul3A_73 : i32 to vector<16xi32>
    %mul3A_75 = arith.muli %mul3A_74, %iota3A : vector<16xi32>
    %add3A_76 = vector.broadcast %add3A_72 : i32 to vector<16xi32>
    %add3A_77 = arith.addi %add3A_76, %mul3A_75 : vector<16xi32>
    %swap3A_78 = arith.constant 2 : i32
    %swap3A_79 = arith.index_cast %swap3A_78 : i32 to index
    %swap3A_80 = arith.constant 0 : index
    %swap3A_81 = tpu.vector_load %arg5[%swap3A_79, %swap3A_80] {strides = array<i32>} : memref<11x32xi32, #tpu.memory_space<vmem>>, vector<1x16xi32>,
    %swap3A_82 = vector.shape_cast %swap3A_81 : vector<1x16xi32> to vector<16xi32>
    %swap3A_83 = vector.shape_cast %add3A_77 : vector<16xi32> to vector<1x16xi32>
    tpu.vector_store %arg5[%swap3A_79, %swap3A_80], %swap3A_83 {strides = array<i32>} : memref<11x32xi32, #tpu.memory_space<vmem>>, vector<1x16xi32>,
    %add3A_84 = arith.constant 8 : i32
    %add3A_85 = vector.broadcast %add3A_84 : i32 to vector<16xi32>
    %add3A_86 = arith.addi %iota3A, %add3A_85 : vector<16xi32>
    %mul3A_87 = arith.constant 2 : i32
    %mul3A_88 = vector.broadcast %mul3A_87 : i32 to vector<16xi32>
    %mul3A_89 = arith.muli %mul3A_88, %add3A_86 : vector<16xi32>
    %add3A_90 = vector.broadcast %add3A_72 : i32 to vector<16xi32>
    %add3A_91 = arith.addi %add3A_90, %mul3A_89 : vector<16xi32>
    %swap3A_92 = arith.constant 2 : i32
    %swap3A_93 = arith.index_cast %swap3A_92 : i32 to index
    %swap3A_94 = arith.constant 8 : index
    %swap3A_95 = tpu.vector_load %arg5[%swap3A_93, %swap3A_94] {strides = array<i32>} : memref<11x32xi32, #tpu.memory_space<vmem>>, vector<1x16xi32>,
    %swap3A_96 = vector.shape_cast %swap3A_95 : vector<1x16xi32> to vector<16xi32>
    %swap3A_97 = vector.shape_cast %add3A_91 : vector<16xi32> to vector<1x16xi32>
    tpu.vector_store %arg5[%swap3A_93, %swap3A_94], %swap3A_97 {strides = array<i32>} : memref<11x32xi32, #tpu.memory_space<vmem>>, vector<1x16xi32>,
    %mul3A_98 = arith.constant 256 : i32
    %mul3A_99 = arith.muli %arg1, %mul3A_98 : i32
    %add3A_100 = arith.constant 72 : i32
    %add3A_101 = arith.addi %mul3A_99, %add3A_100 : i32
    %mul3A_102 = arith.constant 2 : i32
    %mul3A_103 = arith.muli %add3A_101, %mul3A_102 : i32
    %add3A_104 = arith.addi %mul3A_103, %arg0 : i32
    %mul3A_105 = arith.constant 2 : i32
    %mul3A_106 = vector.broadcast %mul3A_105 : i32 to vector<16xi32>
    %mul3A_107 = arith.muli %mul3A_106, %iota3A : vector<16xi32>
    %add3A_108 = vector.broadcast %add3A_104 : i32 to vector<16xi32>
    %add3A_109 = arith.addi %add3A_108, %mul3A_107 : vector<16xi32>
    %swap3A_110 = arith.constant 3 : i32
    %swap3A_111 = arith.index_cast %swap3A_110 : i32 to index
    %swap3A_112 = arith.constant 0 : index
    %swap3A_113 = tpu.vector_load %arg5[%swap3A_111, %swap3A_112] {strides = array<i32>} : memref<11x32xi32, #tpu.memory_space<vmem>>, vector<1x16xi32>,
    %swap3A_114 = vector.shape_cast %swap3A_113 : vector<1x16xi32> to vector<16xi32>
    %swap3A_115 = vector.shape_cast %add3A_109 : vector<16xi32> to vector<1x16xi32>
    tpu.vector_store %arg5[%swap3A_111, %swap3A_112], %swap3A_115 {strides = array<i32>} : memref<11x32xi32, #tpu.memory_space<vmem>>, vector<1x16xi32>,
    %add3A_116 = arith.constant 8 : i32
    %add3A_117 = vector.broadcast %add3A_116 : i32 to vector<16xi32>
    %add3A_118 = arith.addi %iota3A, %add3A_117 : vector<16xi32>
    %mul3A_119 = arith.constant 2 : i32
    %mul3A_120 = vector.broadcast %mul3A_119 : i32 to vector<16xi32>
    %mul3A_121 = arith.muli %mul3A_120, %add3A_118 : vector<16xi32>
    %add3A_122 = vector.broadcast %add3A_104 : i32 to vector<16xi32>
    %add3A_123 = arith.addi %add3A_122, %mul3A_121 : vector<16xi32>
    %swap3A_124 = arith.constant 3 : i32
    %swap3A_125 = arith.index_cast %swap3A_124 : i32 to index
    %swap3A_126 = arith.constant 8 : index
    %swap3A_127 = tpu.vector_load %arg5[%swap3A_125, %swap3A_126] {strides = array<i32>} : memref<11x32xi32, #tpu.memory_space<vmem>>, vector<1x16xi32>,
    %swap3A_128 = vector.shape_cast %swap3A_127 : vector<1x16xi32> to vector<16xi32>
    %swap3A_129 = vector.shape_cast %add3A_123 : vector<16xi32> to vector<1x16xi32>
    tpu.vector_store %arg5[%swap3A_125, %swap3A_126], %swap3A_129 {strides = array<i32>} : memref<11x32xi32, #tpu.memory_space<vmem>>, vector<1x16xi32>,
    %mul3A_130 = arith.constant 256 : i32
    %mul3A_131 = arith.muli %arg1, %mul3A_130 : i32
    %add3A_132 = arith.constant 96 : i32
    %add3A_133 = arith.addi %mul3A_131, %add3A_132 : i32
    %mul3A_134 = arith.constant 2 : i32
    %mul3A_135 = arith.muli %add3A_133, %mul3A_134 : i32
    %add3A_136 = arith.addi %mul3A_135, %arg0 : i32
    %mul3A_137 = arith.constant 2 : i32
    %mul3A_138 = vector.broadcast %mul3A_137 : i32 to vector<16xi32>
    %mul3A_139 = arith.muli %mul3A_138, %iota3A : vector<16xi32>
    %add3A_140 = vector.broadcast %add3A_136 : i32 to vector<16xi32>
    %add3A_141 = arith.addi %add3A_140, %mul3A_139 : vector<16xi32>
    %swap3A_142 = arith.constant 4 : i32
    %swap3A_143 = arith.index_cast %swap3A_142 : i32 to index
    %swap3A_144 = arith.constant 0 : index
    %swap3A_145 = tpu.vector_load %arg5[%swap3A_143, %swap3A_144] {strides = array<i32>} : memref<11x32xi32, #tpu.memory_space<vmem>>, vector<1x16xi32>,
    %swap3A_146 = vector.shape_cast %swap3A_145 : vector<1x16xi32> to vector<16xi32>
    %swap3A_147 = vector.shape_cast %add3A_141 : vector<16xi32> to vector<1x16xi32>
    tpu.vector_store %arg5[%swap3A_143, %swap3A_144], %swap3A_147 {strides = array<i32>} : memref<11x32xi32, #tpu.memory_space<vmem>>, vector<1x16xi32>,
    %add3A_148 = arith.constant 8 : i32
    %add3A_149 = vector.broadcast %add3A_148 : i32 to vector<16xi32>
    %add3A_150 = arith.addi %iota3A, %add3A_149 : vector<16xi32>
    %mul3A_151 = arith.constant 2 : i32
    %mul3A_152 = vector.broadcast %mul3A_151 : i32 to vector<16xi32>
    %mul3A_153 = arith.muli %mul3A_152, %add3A_150 : vector<16xi32>
    %add3A_154 = vector.broadcast %add3A_136 : i32 to vector<16xi32>
    %add3A_155 = arith.addi %add3A_154, %mul3A_153 : vector<16xi32>
    %swap3A_156 = arith.constant 4 : i32
    %swap3A_157 = arith.index_cast %swap3A_156 : i32 to index
    %swap3A_158 = arith.constant 8 : index
    %swap3A_159 = tpu.vector_load %arg5[%swap3A_157, %swap3A_158] {strides = array<i32>} : memref<11x32xi32, #tpu.memory_space<vmem>>, vector<1x16xi32>,
    %swap3A_160 = vector.shape_cast %swap3A_159 : vector<1x16xi32> to vector<16xi32>
    %swap3A_161 = vector.shape_cast %add3A_155 : vector<16xi32> to vector<1x16xi32>
    tpu.vector_store %arg5[%swap3A_157, %swap3A_158], %swap3A_161 {strides = array<i32>} : memref<11x32xi32, #tpu.memory_space<vmem>>, vector<1x16xi32>,
    %mul3A_162 = arith.constant 256 : i32
    %mul3A_163 = arith.muli %arg1, %mul3A_162 : i32
    %add3A_164 = arith.constant 120 : i32
    %add3A_165 = arith.addi %mul3A_163, %add3A_164 : i32
    %mul3A_166 = arith.constant 2 : i32
    %mul3A_167 = arith.muli %add3A_165, %mul3A_166 : i32
    %add3A_168 = arith.addi %mul3A_167, %arg0 : i32
    %mul3A_169 = arith.constant 2 : i32
    %mul3A_170 = vector.broadcast %mul3A_169 : i32 to vector<16xi32>
    %mul3A_171 = arith.muli %mul3A_170, %iota3A : vector<16xi32>
    %add3A_172 = vector.broadcast %add3A_168 : i32 to vector<16xi32>
    %add3A_173 = arith.addi %add3A_172, %mul3A_171 : vector<16xi32>
    %swap3A_174 = arith.constant 5 : i32
    %swap3A_175 = arith.index_cast %swap3A_174 : i32 to index
    %swap3A_176 = arith.constant 0 : index
    %swap3A_177 = tpu.vector_load %arg5[%swap3A_175, %swap3A_176] {strides = array<i32>} : memref<11x32xi32, #tpu.memory_space<vmem>>, vector<1x16xi32>,
    %swap3A_178 = vector.shape_cast %swap3A_177 : vector<1x16xi32> to vector<16xi32>
    %swap3A_179 = vector.shape_cast %add3A_173 : vector<16xi32> to vector<1x16xi32>
    tpu.vector_store %arg5[%swap3A_175, %swap3A_176], %swap3A_179 {strides = array<i32>} : memref<11x32xi32, #tpu.memory_space<vmem>>, vector<1x16xi32>,
    %add3A_180 = arith.constant 8 : i32
    %add3A_181 = vector.broadcast %add3A_180 : i32 to vector<16xi32>
    %add3A_182 = arith.addi %iota3A, %add3A_181 : vector<16xi32>
    %mul3A_183 = arith.constant 2 : i32
    %mul3A_184 = vector.broadcast %mul3A_183 : i32 to vector<16xi32>
    %mul3A_185 = arith.muli %mul3A_184, %add3A_182 : vector<16xi32>
    %add3A_186 = vector.broadcast %add3A_168 : i32 to vector<16xi32>
    %add3A_187 = arith.addi %add3A_186, %mul3A_185 : vector<16xi32>
    %swap3A_188 = arith.constant 5 : i32
    %swap3A_189 = arith.index_cast %swap3A_188 : i32 to index
    %swap3A_190 = arith.constant 8 : index
    %swap3A_191 = tpu.vector_load %arg5[%swap3A_189, %swap3A_190] {strides = array<i32>} : memref<11x32xi32, #tpu.memory_space<vmem>>, vector<1x16xi32>,
    %swap3A_192 = vector.shape_cast %swap3A_191 : vector<1x16xi32> to vector<16xi32>
    %swap3A_193 = vector.shape_cast %add3A_187 : vector<16xi32> to vector<1x16xi32>
    tpu.vector_store %arg5[%swap3A_189, %swap3A_190], %swap3A_193 {strides = array<i32>} : memref<11x32xi32, #tpu.memory_space<vmem>>, vector<1x16xi32>,
    %mul3A_194 = arith.constant 256 : i32
    %mul3A_195 = arith.muli %arg1, %mul3A_194 : i32
    %add3A_196 = arith.constant 144 : i32
    %add3A_197 = arith.addi %mul3A_195, %add3A_196 : i32
    %mul3A_198 = arith.constant 2 : i32
    %mul3A_199 = arith.muli %add3A_197, %mul3A_198 : i32
    %add3A_200 = arith.addi %mul3A_199, %arg0 : i32
    %mul3A_201 = arith.constant 2 : i32
    %mul3A_202 = vector.broadcast %mul3A_201 : i32 to vector<16xi32>
    %mul3A_203 = arith.muli %mul3A_202, %iota3A : vector<16xi32>
    %add3A_204 = vector.broadcast %add3A_200 : i32 to vector<16xi32>
    %add3A_205 = arith.addi %add3A_204, %mul3A_203 : vector<16xi32>
    %swap3A_206 = arith.constant 6 : i32
    %swap3A_207 = arith.index_cast %swap3A_206 : i32 to index
    %swap3A_208 = arith.constant 0 : index
    %swap3A_209 = tpu.vector_load %arg5[%swap3A_207, %swap3A_208] {strides = array<i32>} : memref<11x32xi32, #tpu.memory_space<vmem>>, vector<1x16xi32>,
    %swap3A_210 = vector.shape_cast %swap3A_209 : vector<1x16xi32> to vector<16xi32>
    %swap3A_211 = vector.shape_cast %add3A_205 : vector<16xi32> to vector<1x16xi32>
    tpu.vector_store %arg5[%swap3A_207, %swap3A_208], %swap3A_211 {strides = array<i32>} : memref<11x32xi32, #tpu.memory_space<vmem>>, vector<1x16xi32>,
    %add3A_212 = arith.constant 8 : i32
    %add3A_213 = vector.broadcast %add3A_212 : i32 to vector<16xi32>
    %add3A_214 = arith.addi %iota3A, %add3A_213 : vector<16xi32>
    %mul3A_215 = arith.constant 2 : i32
    %mul3A_216 = vector.broadcast %mul3A_215 : i32 to vector<16xi32>
    %mul3A_217 = arith.muli %mul3A_216, %add3A_214 : vector<16xi32>
    %add3A_218 = vector.broadcast %add3A_200 : i32 to vector<16xi32>
    %add3A_219 = arith.addi %add3A_218, %mul3A_217 : vector<16xi32>
    %swap3A_220 = arith.constant 6 : i32
    %swap3A_221 = arith.index_cast %swap3A_220 : i32 to index
    %swap3A_222 = arith.constant 8 : index
    %swap3A_223 = tpu.vector_load %arg5[%swap3A_221, %swap3A_222] {strides = array<i32>} : memref<11x32xi32, #tpu.memory_space<vmem>>, vector<1x16xi32>,
    %swap3A_224 = vector.shape_cast %swap3A_223 : vector<1x16xi32> to vector<16xi32>
    %swap3A_225 = vector.shape_cast %add3A_219 : vector<16xi32> to vector<1x16xi32>
    tpu.vector_store %arg5[%swap3A_221, %swap3A_222], %swap3A_225 {strides = array<i32>} : memref<11x32xi32, #tpu.memory_space<vmem>>, vector<1x16xi32>,
    %mul3A_226 = arith.constant 256 : i32
    %mul3A_227 = arith.muli %arg1, %mul3A_226 : i32
    %add3A_228 = arith.constant 168 : i32
    %add3A_229 = arith.addi %mul3A_227, %add3A_228 : i32
    %mul3A_230 = arith.constant 2 : i32
    %mul3A_231 = arith.muli %add3A_229, %mul3A_230 : i32
    %add3A_232 = arith.addi %mul3A_231, %arg0 : i32
    %mul3A_233 = arith.constant 2 : i32
    %mul3A_234 = vector.broadcast %mul3A_233 : i32 to vector<16xi32>
    %mul3A_235 = arith.muli %mul3A_234, %iota3A : vector<16xi32>
    %add3A_236 = vector.broadcast %add3A_232 : i32 to vector<16xi32>
    %add3A_237 = arith.addi %add3A_236, %mul3A_235 : vector<16xi32>
    %swap3A_238 = arith.constant 7 : i32
    %swap3A_239 = arith.index_cast %swap3A_238 : i32 to index
    %swap3A_240 = arith.constant 0 : index
    %swap3A_241 = tpu.vector_load %arg5[%swap3A_239, %swap3A_240] {strides = array<i32>} : memref<11x32xi32, #tpu.memory_space<vmem>>, vector<1x16xi32>,
    %swap3A_242 = vector.shape_cast %swap3A_241 : vector<1x16xi32> to vector<16xi32>
    %swap3A_243 = vector.shape_cast %add3A_237 : vector<16xi32> to vector<1x16xi32>
    tpu.vector_store %arg5[%swap3A_239, %swap3A_240], %swap3A_243 {strides = array<i32>} : memref<11x32xi32, #tpu.memory_space<vmem>>, vector<1x16xi32>,
    %add3A_244 = arith.constant 8 : i32
    %add3A_245 = vector.broadcast %add3A_244 : i32 to vector<16xi32>
    %add3A_246 = arith.addi %iota3A, %add3A_245 : vector<16xi32>
    %mul3A_247 = arith.constant 2 : i32
    %mul3A_248 = vector.broadcast %mul3A_247 : i32 to vector<16xi32>
    %mul3A_249 = arith.muli %mul3A_248, %add3A_246 : vector<16xi32>
    %add3A_250 = vector.broadcast %add3A_232 : i32 to vector<16xi32>
    %add3A_251 = arith.addi %add3A_250, %mul3A_249 : vector<16xi32>
    %swap3A_252 = arith.constant 7 : i32
    %swap3A_253 = arith.index_cast %swap3A_252 : i32 to index
    %swap3A_254 = arith.constant 8 : index
    %swap3A_255 = tpu.vector_load %arg5[%swap3A_253, %swap3A_254] {strides = array<i32>} : memref<11x32xi32, #tpu.memory_space<vmem>>, vector<1x16xi32>,
    %swap3A_256 = vector.shape_cast %swap3A_255 : vector<1x16xi32> to vector<16xi32>
    %swap3A_257 = vector.shape_cast %add3A_251 : vector<16xi32> to vector<1x16xi32>
    tpu.vector_store %arg5[%swap3A_253, %swap3A_254], %swap3A_257 {strides = array<i32>} : memref<11x32xi32, #tpu.memory_space<vmem>>, vector<1x16xi32>,
    %mul3A_258 = arith.constant 256 : i32
    %mul3A_259 = arith.muli %arg1, %mul3A_258 : i32
    %add3A_260 = arith.constant 192 : i32
    %add3A_261 = arith.addi %mul3A_259, %add3A_260 : i32
    %mul3A_262 = arith.constant 2 : i32
    %mul3A_263 = arith.muli %add3A_261, %mul3A_262 : i32
    %add3A_264 = arith.addi %mul3A_263, %arg0 : i32
    %mul3A_265 = arith.constant 2 : i32
    %mul3A_266 = vector.broadcast %mul3A_265 : i32 to vector<16xi32>
    %mul3A_267 = arith.muli %mul3A_266, %iota3A : vector<16xi32>
    %add3A_268 = vector.broadcast %add3A_264 : i32 to vector<16xi32>
    %add3A_269 = arith.addi %add3A_268, %mul3A_267 : vector<16xi32>
    %swap3A_270 = arith.constant 8 : i32
    %swap3A_271 = arith.index_cast %swap3A_270 : i32 to index
    %swap3A_272 = arith.constant 0 : index
    %swap3A_273 = tpu.vector_load %arg5[%swap3A_271, %swap3A_272] {strides = array<i32>} : memref<11x32xi32, #tpu.memory_space<vmem>>, vector<1x16xi32>,
    %swap3A_274 = vector.shape_cast %swap3A_273 : vector<1x16xi32> to vector<16xi32>
    %swap3A_275 = vector.shape_cast %add3A_269 : vector<16xi32> to vector<1x16xi32>
    tpu.vector_store %arg5[%swap3A_271, %swap3A_272], %swap3A_275 {strides = array<i32>} : memref<11x32xi32, #tpu.memory_space<vmem>>, vector<1x16xi32>,
    %add3A_276 = arith.constant 8 : i32
    %add3A_277 = vector.broadcast %add3A_276 : i32 to vector<16xi32>
    %add3A_278 = arith.addi %iota3A, %add3A_277 : vector<16xi32>
    %mul3A_279 = arith.constant 2 : i32
    %mul3A_280 = vector.broadcast %mul3A_279 : i32 to vector<16xi32>
    %mul3A_281 = arith.muli %mul3A_280, %add3A_278 : vector<16xi32>
    %add3A_282 = vector.broadcast %add3A_264 : i32 to vector<16xi32>
    %add3A_283 = arith.addi %add3A_282, %mul3A_281 : vector<16xi32>
    %swap3A_284 = arith.constant 8 : i32
    %swap3A_285 = arith.index_cast %swap3A_284 : i32 to index
    %swap3A_286 = arith.constant 8 : index
    %swap3A_287 = tpu.vector_load %arg5[%swap3A_285, %swap3A_286] {strides = array<i32>} : memref<11x32xi32, #tpu.memory_space<vmem>>, vector<1x16xi32>,
    %swap3A_288 = vector.shape_cast %swap3A_287 : vector<1x16xi32> to vector<16xi32>
    %swap3A_289 = vector.shape_cast %add3A_283 : vector<16xi32> to vector<1x16xi32>
    tpu.vector_store %arg5[%swap3A_285, %swap3A_286], %swap3A_289 {strides = array<i32>} : memref<11x32xi32, #tpu.memory_space<vmem>>, vector<1x16xi32>,
    %mul3A_290 = arith.constant 256 : i32
    %mul3A_291 = arith.muli %arg1, %mul3A_290 : i32
    %add3A_292 = arith.constant 216 : i32
    %add3A_293 = arith.addi %mul3A_291, %add3A_292 : i32
    %mul3A_294 = arith.constant 2 : i32
    %mul3A_295 = arith.muli %add3A_293, %mul3A_294 : i32
    %add3A_296 = arith.addi %mul3A_295, %arg0 : i32
    %mul3A_297 = arith.constant 2 : i32
    %mul3A_298 = vector.broadcast %mul3A_297 : i32 to vector<16xi32>
    %mul3A_299 = arith.muli %mul3A_298, %iota3A : vector<16xi32>
    %add3A_300 = vector.broadcast %add3A_296 : i32 to vector<16xi32>
    %add3A_301 = arith.addi %add3A_300, %mul3A_299 : vector<16xi32>
    %swap3A_302 = arith.constant 9 : i32
    %swap3A_303 = arith.index_cast %swap3A_302 : i32 to index
    %swap3A_304 = arith.constant 0 : index
    %swap3A_305 = tpu.vector_load %arg5[%swap3A_303, %swap3A_304] {strides = array<i32>} : memref<11x32xi32, #tpu.memory_space<vmem>>, vector<1x16xi32>,
    %swap3A_306 = vector.shape_cast %swap3A_305 : vector<1x16xi32> to vector<16xi32>
    %swap3A_307 = vector.shape_cast %add3A_301 : vector<16xi32> to vector<1x16xi32>
    tpu.vector_store %arg5[%swap3A_303, %swap3A_304], %swap3A_307 {strides = array<i32>} : memref<11x32xi32, #tpu.memory_space<vmem>>, vector<1x16xi32>,
    %add3A_308 = arith.constant 8 : i32
    %add3A_309 = vector.broadcast %add3A_308 : i32 to vector<16xi32>
    %add3A_310 = arith.addi %iota3A, %add3A_309 : vector<16xi32>
    %mul3A_311 = arith.constant 2 : i32
    %mul3A_312 = vector.broadcast %mul3A_311 : i32 to vector<16xi32>
    %mul3A_313 = arith.muli %mul3A_312, %add3A_310 : vector<16xi32>
    %add3A_314 = vector.broadcast %add3A_296 : i32 to vector<16xi32>
    %add3A_315 = arith.addi %add3A_314, %mul3A_313 : vector<16xi32>
    %swap3A_316 = arith.constant 9 : i32
    %swap3A_317 = arith.index_cast %swap3A_316 : i32 to index
    %swap3A_318 = arith.constant 8 : index
    %swap3A_319 = tpu.vector_load %arg5[%swap3A_317, %swap3A_318] {strides = array<i32>} : memref<11x32xi32, #tpu.memory_space<vmem>>, vector<1x16xi32>,
    %swap3A_320 = vector.shape_cast %swap3A_319 : vector<1x16xi32> to vector<16xi32>
    %swap3A_321 = vector.shape_cast %add3A_315 : vector<16xi32> to vector<1x16xi32>
    tpu.vector_store %arg5[%swap3A_317, %swap3A_318], %swap3A_321 {strides = array<i32>} : memref<11x32xi32, #tpu.memory_space<vmem>>, vector<1x16xi32>,
    %mul3A_322 = arith.constant 256 : i32
    %mul3A_323 = arith.muli %arg1, %mul3A_322 : i32
    %add3A_324 = arith.constant 240 : i32
    %add3A_325 = arith.addi %mul3A_323, %add3A_324 : i32
    %mul3A_326 = arith.constant 2 : i32
    %mul3A_327 = arith.muli %add3A_325, %mul3A_326 : i32
    %add3A_328 = arith.addi %mul3A_327, %arg0 : i32
    %mul3A_329 = arith.constant 2 : i32
    %mul3A_330 = vector.broadcast %mul3A_329 : i32 to vector<16xi32>
    %mul3A_331 = arith.muli %mul3A_330, %iota3A : vector<16xi32>
    %add3A_332 = vector.broadcast %add3A_328 : i32 to vector<16xi32>
    %add3A_333 = arith.addi %add3A_332, %mul3A_331 : vector<16xi32>
    %swap3A_334 = arith.constant 10 : i32
    %swap3A_335 = arith.index_cast %swap3A_334 : i32 to index
    %swap3A_336 = arith.constant 0 : index
    %swap3A_337 = tpu.vector_load %arg5[%swap3A_335, %swap3A_336] {strides = array<i32>} : memref<11x32xi32, #tpu.memory_space<vmem>>, vector<1x16xi32>,
    %swap3A_338 = vector.shape_cast %swap3A_337 : vector<1x16xi32> to vector<16xi32>
    %swap3A_339 = vector.shape_cast %add3A_333 : vector<16xi32> to vector<1x16xi32>
    tpu.vector_store %arg5[%swap3A_335, %swap3A_336], %swap3A_339 {strides = array<i32>} : memref<11x32xi32, #tpu.memory_space<vmem>>, vector<1x16xi32>,
    %scan3A = arith.constant 0 : i32
    %scan3A_340 = arith.constant 10 : i32
    %scan3A_341 = arith.addi %scan3A, %scan3A_340 : i32
    %scan3A_342 = arith.constant 1 : i32
    scf.for %scan3A_477 = %scan3A to %scan3A_341 step %scan3A_342  : i32 {
      %mul3A_478 = arith.constant 1 : i32
      %mul3A_479 = arith.muli %scan3A_477, %mul3A_478 : i32
      %add3A_480 = arith.constant 0 : i32
      %add3A_481 = arith.addi %add3A_480, %mul3A_479 : i32
      %rem3A = arith.constant 2 : i32
      %rem3A_482 = arith.remsi %add3A_481, %rem3A : i32
      %ge3A = arith.constant 2 : i32
      %ge3A_483 = arith.cmpi sge, %add3A_481, %ge3A : i32
      %convert_element_type3A = arith.extui %ge3A_483 : i1 to i32
      %cond3A = arith.constant 0 : i32
      %cond3A_484 = arith.cmpi ne, %convert_element_type3A, %cond3A : i32
      scf.if %cond3A_484 {
        %sub3A = arith.constant 2 : i32
        %sub3A_502 = arith.subi %add3A_481, %sub3A : i32
        %mul3A_503 = arith.constant 24 : i32
        %mul3A_504 = arith.muli %mul3A_503, %sub3A_502 : i32
        %add3A_505 = arith.addi %add3A, %mul3A_504 : i32
        %dma_wait3A_506 = arith.constant 0 : i32
        %dma_wait3A_507 = arith.constant 0 : i32
        %dma_wait3A_508 = tpu.memref_slice %arg4[%rem3A_482, %dma_wait3A_506, %dma_wait3A_507] : memref<2x24x2048xf32, #tpu.memory_space<vmem>> -> memref<1x24x2048xf32, #tpu.memory_space<vmem>>
        %dma_wait3A_509 = tpu.memref_squeeze %dma_wait3A_508 : memref<1x24x2048xf32, #tpu.memory_space<vmem>> -> memref<24x2048xf32, #tpu.memory_space<vmem>>
        %dma_wait3A_510 = arith.constant 0 : i32
        %dma_wait3A_511 = tpu.memref_slice %arg3[%add3A_505, %dma_wait3A_510] : memref<8192x2048xf32, #tpu.memory_space<hbm>> -> memref<24x2048xf32, #tpu.memory_space<hbm>>
        %dma_wait3A_512 = tpu.memref_slice %arg7[%rem3A_482] : memref<2x!tpu.dma_semaphore, #tpu.memory_space<semaphore_mem>> -> memref<1x!tpu.dma_semaphore, #tpu.memory_space<semaphore_mem>>
        %dma_wait3A_513 = tpu.memref_squeeze %dma_wait3A_512 : memref<1x!tpu.dma_semaphore, #tpu.memory_space<semaphore_mem>> -> memref<!tpu.dma_semaphore, #tpu.memory_space<semaphore_mem>>
        %dma_wait3A_514 = arith.constant 0 : i32
        %dma_wait3A_515 = tpu.memref_slice %arg3[%add3A_505, %dma_wait3A_514] : memref<8192x2048xf32, #tpu.memory_space<hbm>> -> memref<24x2048xf32, #tpu.memory_space<hbm>>
        %dma_wait3A_516 = arith.constant 0 : i32
        %dma_wait3A_517 = arith.constant 0 : i32
        %dma_wait3A_518 = tpu.memref_slice %arg4[%rem3A_482, %dma_wait3A_516, %dma_wait3A_517] : memref<2x24x2048xf32, #tpu.memory_space<vmem>> -> memref<1x24x2048xf32, #tpu.memory_space<vmem>>
        %dma_wait3A_519 = tpu.memref_squeeze %dma_wait3A_518 : memref<1x24x2048xf32, #tpu.memory_space<vmem>> -> memref<24x2048xf32, #tpu.memory_space<vmem>>
        tpu.wait_dma2 semaphore(%dma_wait3A_513 : memref<!tpu.dma_semaphore, #tpu.memory_space<semaphore_mem>>) src(%dma_wait3A_519 : memref<24x2048xf32, #tpu.memory_space<vmem>>) dst(%dma_wait3A_515 : memref<24x2048xf32, #tpu.memory_space<hbm>>)
      } else {
      }
      %dma_start3A_485 = arith.constant 0 : i32
      %dma_start3A_486 = arith.constant 0 : i32
      %dma_start3A_487 = tpu.memref_slice %arg4[%rem3A_482, %dma_start3A_485, %dma_start3A_486] : memref<2x24x2048xf32, #tpu.memory_space<vmem>> -> memref<1x24x2048xf32, #tpu.memory_space<vmem>>
      %dma_start3A_488 = tpu.memref_squeeze %dma_start3A_487 : memref<1x24x2048xf32, #tpu.memory_space<vmem>> -> memref<24x2048xf32, #tpu.memory_space<vmem>>
      %dma_start3A_489 = arith.constant 0 : i32
      %dma_start3A_490 = tpu.memref_slice %arg5[%add3A_481, %dma_start3A_489] : memref<11x32xi32, #tpu.memory_space<vmem>> -> memref<1x24xi32, #tpu.memory_space<vmem>>
      %dma_start3A_491 = tpu.memref_squeeze %dma_start3A_490 : memref<1x24xi32, #tpu.memory_space<vmem>> -> memref<24xi32, #tpu.memory_space<vmem>>
      %dma_start3A_492 = arith.constant 0 : i32
      %dma_start3A_493 = arith.constant 0 : i32
      %dma_start3A_494 = tpu.memref_slice %arg2[%dma_start3A_492, %dma_start3A_493] : memref<8192x2048xf32, #tpu.memory_space<hbm>> -> memref<8192x2048xf32, #tpu.memory_space<hbm>>
      %dma_start3A_495 = tpu.memref_slice %arg6[%rem3A_482] : memref<2x!tpu.dma_semaphore, #tpu.memory_space<semaphore_mem>> -> memref<1x!tpu.dma_semaphore, #tpu.memory_space<semaphore_mem>>
      %dma_start3A_496 = tpu.memref_squeeze %dma_start3A_495 : memref<1x!tpu.dma_semaphore, #tpu.memory_space<semaphore_mem>> -> memref<!tpu.dma_semaphore, #tpu.memory_space<semaphore_mem>>
      tpu.enqueue_indirect_dma source(%dma_start3A_494 : memref<8192x2048xf32, #tpu.memory_space<hbm>>) target(%dma_start3A_488 : memref<24x2048xf32, #tpu.memory_space<vmem>>) offsets(%dma_start3A_491 : memref<24xi32, #tpu.memory_space<vmem>>) semaphore(%dma_start3A_496 : memref<!tpu.dma_semaphore, #tpu.memory_space<semaphore_mem>>)
      %ge3A_497 = arith.constant 1 : i32
      %ge3A_498 = arith.cmpi sge, %add3A_481, %ge3A_497 : i32
      %convert_element_type3A_499 = arith.extui %ge3A_498 : i1 to i32
      %cond3A_500 = arith.constant 0 : i32
      %cond3A_501 = arith.cmpi ne, %convert_element_type3A_499, %cond3A_500 : i32
      scf.if %cond3A_501 {
        %sub3A = arith.constant 1 : i32
        %sub3A_502 = arith.subi %add3A_481, %sub3A : i32
        %sub3A_503 = arith.constant 1 : i32
        %sub3A_504 = arith.subi %sub3A_503, %rem3A_482 : i32
        %dma_wait3A_505 = arith.constant 0 : i32
        %dma_wait3A_506 = arith.constant 0 : i32
        %dma_wait3A_507 = tpu.memref_slice %arg4[%sub3A_504, %dma_wait3A_505, %dma_wait3A_506] : memref<2x24x2048xf32, #tpu.memory_space<vmem>> -> memref<1x24x2048xf32, #tpu.memory_space<vmem>>
        %dma_wait3A_508 = tpu.memref_squeeze %dma_wait3A_507 : memref<1x24x2048xf32, #tpu.memory_space<vmem>> -> memref<24x2048xf32, #tpu.memory_space<vmem>>
        %dma_wait3A_509 = arith.constant 0 : i32
        %dma_wait3A_510 = tpu.memref_slice %arg5[%sub3A_502, %dma_wait3A_509] : memref<11x32xi32, #tpu.memory_space<vmem>> -> memref<1x24xi32, #tpu.memory_space<vmem>>
        %dma_wait3A_511 = tpu.memref_squeeze %dma_wait3A_510 : memref<1x24xi32, #tpu.memory_space<vmem>> -> memref<24xi32, #tpu.memory_space<vmem>>
        %dma_wait3A_512 = arith.constant 0 : i32
        %dma_wait3A_513 = arith.constant 0 : i32
        %dma_wait3A_514 = tpu.memref_slice %arg2[%dma_wait3A_512, %dma_wait3A_513] : memref<8192x2048xf32, #tpu.memory_space<hbm>> -> memref<8192x2048xf32, #tpu.memory_space<hbm>>
        %dma_wait3A_515 = tpu.memref_slice %arg6[%sub3A_504] : memref<2x!tpu.dma_semaphore, #tpu.memory_space<semaphore_mem>> -> memref<1x!tpu.dma_semaphore, #tpu.memory_space<semaphore_mem>>
        %dma_wait3A_516 = tpu.memref_squeeze %dma_wait3A_515 : memref<1x!tpu.dma_semaphore, #tpu.memory_space<semaphore_mem>> -> memref<!tpu.dma_semaphore, #tpu.memory_space<semaphore_mem>>
        tpu.wait_indirect_dma semaphore(%dma_wait3A_516 : memref<!tpu.dma_semaphore, #tpu.memory_space<semaphore_mem>>) src(%dma_wait3A_514 : memref<8192x2048xf32, #tpu.memory_space<hbm>>) dst(%dma_wait3A_508 : memref<24x2048xf32, #tpu.memory_space<vmem>>)
        %sub3A_517 = arith.constant 1 : i32
        %sub3A_518 = arith.subi %add3A_481, %sub3A_517 : i32
        %sub3A_519 = arith.constant 1 : i32
        %sub3A_520 = arith.subi %sub3A_519, %rem3A_482 : i32
        %mul3A_521 = arith.constant 24 : i32
        %mul3A_522 = arith.muli %mul3A_521, %sub3A_518 : i32
        %add3A_523 = arith.addi %add3A, %mul3A_522 : i32
        %dma_start3A_524 = arith.constant 0 : i32
        %dma_start3A_525 = arith.constant 0 : i32
        %dma_start3A_526 = tpu.memref_slice %arg4[%sub3A_520, %dma_start3A_524, %dma_start3A_525] : memref<2x24x2048xf32, #tpu.memory_space<vmem>> -> memref<1x24x2048xf32, #tpu.memory_space<vmem>>
        %dma_start3A_527 = tpu.memref_squeeze %dma_start3A_526 : memref<1x24x2048xf32, #tpu.memory_space<vmem>> -> memref<24x2048xf32, #tpu.memory_space<vmem>>
        %dma_start3A_528 = arith.constant 0 : i32
        %dma_start3A_529 = tpu.memref_slice %arg3[%add3A_523, %dma_start3A_528] : memref<8192x2048xf32, #tpu.memory_space<hbm>> -> memref<24x2048xf32, #tpu.memory_space<hbm>>
        %dma_start3A_530 = tpu.memref_slice %arg7[%sub3A_520] : memref<2x!tpu.dma_semaphore, #tpu.memory_space<semaphore_mem>> -> memref<1x!tpu.dma_semaphore, #tpu.memory_space<semaphore_mem>>
        %dma_start3A_531 = tpu.memref_squeeze %dma_start3A_530 : memref<1x!tpu.dma_semaphore, #tpu.memory_space<semaphore_mem>> -> memref<!tpu.dma_semaphore, #tpu.memory_space<semaphore_mem>>
        %dma_start3A_532 = arith.constant 0 : i32
        %dma_start3A_533 = tpu.memref_slice %arg3[%add3A_523, %dma_start3A_532] : memref<8192x2048xf32, #tpu.memory_space<hbm>> -> memref<24x2048xf32, #tpu.memory_space<hbm>>
        %dma_start3A_534 = arith.constant 0 : i32
        %dma_start3A_535 = arith.constant 0 : i32
        %dma_start3A_536 = tpu.memref_slice %arg4[%sub3A_520, %dma_start3A_534, %dma_start3A_535] : memref<2x24x2048xf32, #tpu.memory_space<vmem>> -> memref<1x24x2048xf32, #tpu.memory_space<vmem>>
        %dma_start3A_537 = tpu.memref_squeeze %dma_start3A_536 : memref<1x24x2048xf32, #tpu.memory_space<vmem>> -> memref<24x2048xf32, #tpu.memory_space<vmem>>
        tpu.enqueue_dma source(%dma_start3A_537 : memref<24x2048xf32, #tpu.memory_space<vmem>>) target(%dma_start3A_533 : memref<24x2048xf32, #tpu.memory_space<hbm>>) target_semaphore(%dma_start3A_531 : memref<!tpu.dma_semaphore, #tpu.memory_space<semaphore_mem>>)
      } else {
      }
    }
    %scan3A_343 = arith.constant 10 : i32
    %add3A_344 = arith.constant 192 : i32
    %add3A_345 = arith.addi %add3A, %add3A_344 : i32
    %dma_wait3A = arith.constant 0 : i32
    %dma_wait3A_346 = arith.constant 0 : i32
    %dma_wait3A_347 = arith.constant 0 : i32
    %dma_wait3A_348 = arith.constant 0 : i32
    %dma_wait3A_349 = tpu.memref_slice %arg4[%dma_wait3A, %dma_wait3A_347, %dma_wait3A_348] : memref<2x24x2048xf32, #tpu.memory_space<vmem>> -> memref<1x24x2048xf32, #tpu.memory_space<vmem>>
    %dma_wait3A_350 = tpu.memref_squeeze %dma_wait3A_349 : memref<1x24x2048xf32, #tpu.memory_space<vmem>> -> memref<24x2048xf32, #tpu.memory_space<vmem>>
    %dma_wait3A_351 = arith.constant 0 : i32
    %dma_wait3A_352 = tpu.memref_slice %arg3[%add3A_345, %dma_wait3A_351] : memref<8192x2048xf32, #tpu.memory_space<hbm>> -> memref<24x2048xf32, #tpu.memory_space<hbm>>
    %dma_wait3A_353 = tpu.memref_slice %arg7[%dma_wait3A_346] : memref<2x!tpu.dma_semaphore, #tpu.memory_space<semaphore_mem>> -> memref<1x!tpu.dma_semaphore, #tpu.memory_space<semaphore_mem>>
    %dma_wait3A_354 = tpu.memref_squeeze %dma_wait3A_353 : memref<1x!tpu.dma_semaphore, #tpu.memory_space<semaphore_mem>> -> memref<!tpu.dma_semaphore, #tpu.memory_space<semaphore_mem>>
    %dma_wait3A_355 = arith.constant 0 : i32
    %dma_wait3A_356 = tpu.memref_slice %arg3[%add3A_345, %dma_wait3A_355] : memref<8192x2048xf32, #tpu.memory_space<hbm>> -> memref<24x2048xf32, #tpu.memory_space<hbm>>
    %dma_wait3A_357 = arith.constant 0 : i32
    %dma_wait3A_358 = arith.constant 0 : i32
    %dma_wait3A_359 = tpu.memref_slice %arg4[%dma_wait3A, %dma_wait3A_357, %dma_wait3A_358] : memref<2x24x2048xf32, #tpu.memory_space<vmem>> -> memref<1x24x2048xf32, #tpu.memory_space<vmem>>
    %dma_wait3A_360 = tpu.memref_squeeze %dma_wait3A_359 : memref<1x24x2048xf32, #tpu.memory_space<vmem>> -> memref<24x2048xf32, #tpu.memory_space<vmem>>
    tpu.wait_dma2 semaphore(%dma_wait3A_354 : memref<!tpu.dma_semaphore, #tpu.memory_space<semaphore_mem>>) src(%dma_wait3A_360 : memref<24x2048xf32, #tpu.memory_space<vmem>>) dst(%dma_wait3A_356 : memref<24x2048xf32, #tpu.memory_space<hbm>>)
    %dma_start3A = arith.constant 10 : i32
    %dma_start3A_361 = arith.constant 0 : i32
    %dma_start3A_362 = arith.constant 0 : i32
    %dma_start3A_363 = arith.constant 0 : i32
    %dma_start3A_364 = arith.constant 0 : i32
    %dma_start3A_365 = tpu.memref_slice %arg4[%dma_start3A_361, %dma_start3A_363, %dma_start3A_364] : memref<2x24x2048xf32, #tpu.memory_space<vmem>> -> memref<1x16x2048xf32, #tpu.memory_space<vmem>>
    %dma_start3A_366 = tpu.memref_squeeze %dma_start3A_365 : memref<1x16x2048xf32, #tpu.memory_space<vmem>> -> memref<16x2048xf32, #tpu.memory_space<vmem>>
    %dma_start3A_367 = arith.constant 0 : i32
    %dma_start3A_368 = tpu.memref_slice %arg5[%dma_start3A, %dma_start3A_367] : memref<11x32xi32, #tpu.memory_space<vmem>> -> memref<1x16xi32, #tpu.memory_space<vmem>>
    %dma_start3A_369 = tpu.memref_squeeze %dma_start3A_368 : memref<1x16xi32, #tpu.memory_space<vmem>> -> memref<16xi32, #tpu.memory_space<vmem>>
    %dma_start3A_370 = arith.constant 0 : i32
    %dma_start3A_371 = arith.constant 0 : i32
    %dma_start3A_372 = tpu.memref_slice %arg2[%dma_start3A_370, %dma_start3A_371] : memref<8192x2048xf32, #tpu.memory_space<hbm>> -> memref<8192x2048xf32, #tpu.memory_space<hbm>>
    %dma_start3A_373 = tpu.memref_slice %arg6[%dma_start3A_362] : memref<2x!tpu.dma_semaphore, #tpu.memory_space<semaphore_mem>> -> memref<1x!tpu.dma_semaphore, #tpu.memory_space<semaphore_mem>>
    %dma_start3A_374 = tpu.memref_squeeze %dma_start3A_373 : memref<1x!tpu.dma_semaphore, #tpu.memory_space<semaphore_mem>> -> memref<!tpu.dma_semaphore, #tpu.memory_space<semaphore_mem>>
    tpu.enqueue_indirect_dma source(%dma_start3A_372 : memref<8192x2048xf32, #tpu.memory_space<hbm>>) target(%dma_start3A_366 : memref<16x2048xf32, #tpu.memory_space<vmem>>) offsets(%dma_start3A_369 : memref<16xi32, #tpu.memory_space<vmem>>) semaphore(%dma_start3A_374 : memref<!tpu.dma_semaphore, #tpu.memory_space<semaphore_mem>>)
    %dma_wait3A_375 = arith.constant 9 : i32
    %dma_wait3A_376 = arith.constant 1 : i32
    %dma_wait3A_377 = arith.constant 1 : i32
    %dma_wait3A_378 = arith.constant 0 : i32
    %dma_wait3A_379 = arith.constant 0 : i32
    %dma_wait3A_380 = tpu.memref_slice %arg4[%dma_wait3A_376, %dma_wait3A_378, %dma_wait3A_379] : memref<2x24x2048xf32, #tpu.memory_space<vmem>> -> memref<1x24x2048xf32, #tpu.memory_space<vmem>>
    %dma_wait3A_381 = tpu.memref_squeeze %dma_wait3A_380 : memref<1x24x2048xf32, #tpu.memory_space<vmem>> -> memref<24x2048xf32, #tpu.memory_space<vmem>>
    %dma_wait3A_382 = arith.constant 0 : i32
    %dma_wait3A_383 = tpu.memref_slice %arg5[%dma_wait3A_375, %dma_wait3A_382] : memref<11x32xi32, #tpu.memory_space<vmem>> -> memref<1x24xi32, #tpu.memory_space<vmem>>
    %dma_wait3A_384 = tpu.memref_squeeze %dma_wait3A_383 : memref<1x24xi32, #tpu.memory_space<vmem>> -> memref<24xi32, #tpu.memory_space<vmem>>
    %dma_wait3A_385 = arith.constant 0 : i32
    %dma_wait3A_386 = arith.constant 0 : i32
    %dma_wait3A_387 = tpu.memref_slice %arg2[%dma_wait3A_385, %dma_wait3A_386] : memref<8192x2048xf32, #tpu.memory_space<hbm>> -> memref<8192x2048xf32, #tpu.memory_space<hbm>>
    %dma_wait3A_388 = tpu.memref_slice %arg6[%dma_wait3A_377] : memref<2x!tpu.dma_semaphore, #tpu.memory_space<semaphore_mem>> -> memref<1x!tpu.dma_semaphore, #tpu.memory_space<semaphore_mem>>
    %dma_wait3A_389 = tpu.memref_squeeze %dma_wait3A_388 : memref<1x!tpu.dma_semaphore, #tpu.memory_space<semaphore_mem>> -> memref<!tpu.dma_semaphore, #tpu.memory_space<semaphore_mem>>
    tpu.wait_indirect_dma semaphore(%dma_wait3A_389 : memref<!tpu.dma_semaphore, #tpu.memory_space<semaphore_mem>>) src(%dma_wait3A_387 : memref<8192x2048xf32, #tpu.memory_space<hbm>>) dst(%dma_wait3A_381 : memref<24x2048xf32, #tpu.memory_space<vmem>>)
    %add3A_390 = arith.constant 216 : i32
    %add3A_391 = arith.addi %add3A, %add3A_390 : i32
    %dma_start3A_392 = arith.constant 1 : i32
    %dma_start3A_393 = arith.constant 1 : i32
    %dma_start3A_394 = arith.constant 0 : i32
    %dma_start3A_395 = arith.constant 0 : i32
    %dma_start3A_396 = tpu.memref_slice %arg4[%dma_start3A_392, %dma_start3A_394, %dma_start3A_395] : memref<2x24x2048xf32, #tpu.memory_space<vmem>> -> memref<1x24x2048xf32, #tpu.memory_space<vmem>>
    %dma_start3A_397 = tpu.memref_squeeze %dma_start3A_396 : memref<1x24x2048xf32, #tpu.memory_space<vmem>> -> memref<24x2048xf32, #tpu.memory_space<vmem>>
    %dma_start3A_398 = arith.constant 0 : i32
    %dma_start3A_399 = tpu.memref_slice %arg3[%add3A_391, %dma_start3A_398] : memref<8192x2048xf32, #tpu.memory_space<hbm>> -> memref<24x2048xf32, #tpu.memory_space<hbm>>
    %dma_start3A_400 = tpu.memref_slice %arg7[%dma_start3A_393] : memref<2x!tpu.dma_semaphore, #tpu.memory_space<semaphore_mem>> -> memref<1x!tpu.dma_semaphore, #tpu.memory_space<semaphore_mem>>
    %dma_start3A_401 = tpu.memref_squeeze %dma_start3A_400 : memref<1x!tpu.dma_semaphore, #tpu.memory_space<semaphore_mem>> -> memref<!tpu.dma_semaphore, #tpu.memory_space<semaphore_mem>>
    %dma_start3A_402 = arith.constant 0 : i32
    %dma_start3A_403 = tpu.memref_slice %arg3[%add3A_391, %dma_start3A_402] : memref<8192x2048xf32, #tpu.memory_space<hbm>> -> memref<24x2048xf32, #tpu.memory_space<hbm>>
    %dma_start3A_404 = arith.constant 0 : i32
    %dma_start3A_405 = arith.constant 0 : i32
    %dma_start3A_406 = tpu.memref_slice %arg4[%dma_start3A_392, %dma_start3A_404, %dma_start3A_405] : memref<2x24x2048xf32, #tpu.memory_space<vmem>> -> memref<1x24x2048xf32, #tpu.memory_space<vmem>>
    %dma_start3A_407 = tpu.memref_squeeze %dma_start3A_406 : memref<1x24x2048xf32, #tpu.memory_space<vmem>> -> memref<24x2048xf32, #tpu.memory_space<vmem>>
    tpu.enqueue_dma source(%dma_start3A_407 : memref<24x2048xf32, #tpu.memory_space<vmem>>) target(%dma_start3A_403 : memref<24x2048xf32, #tpu.memory_space<hbm>>) target_semaphore(%dma_start3A_401 : memref<!tpu.dma_semaphore, #tpu.memory_space<semaphore_mem>>)
    %dma_wait3A_408 = arith.constant 10 : i32
    %dma_wait3A_409 = arith.constant 0 : i32
    %dma_wait3A_410 = arith.constant 0 : i32
    %dma_wait3A_411 = arith.constant 0 : i32
    %dma_wait3A_412 = arith.constant 0 : i32
    %dma_wait3A_413 = tpu.memref_slice %arg4[%dma_wait3A_409, %dma_wait3A_411, %dma_wait3A_412] : memref<2x24x2048xf32, #tpu.memory_space<vmem>> -> memref<1x16x2048xf32, #tpu.memory_space<vmem>>
    %dma_wait3A_414 = tpu.memref_squeeze %dma_wait3A_413 : memref<1x16x2048xf32, #tpu.memory_space<vmem>> -> memref<16x2048xf32, #tpu.memory_space<vmem>>
    %dma_wait3A_415 = arith.constant 0 : i32
    %dma_wait3A_416 = tpu.memref_slice %arg5[%dma_wait3A_408, %dma_wait3A_415] : memref<11x32xi32, #tpu.memory_space<vmem>> -> memref<1x16xi32, #tpu.memory_space<vmem>>
    %dma_wait3A_417 = tpu.memref_squeeze %dma_wait3A_416 : memref<1x16xi32, #tpu.memory_space<vmem>> -> memref<16xi32, #tpu.memory_space<vmem>>
    %dma_wait3A_418 = arith.constant 0 : i32
    %dma_wait3A_419 = arith.constant 0 : i32
    %dma_wait3A_420 = tpu.memref_slice %arg2[%dma_wait3A_418, %dma_wait3A_419] : memref<8192x2048xf32, #tpu.memory_space<hbm>> -> memref<8192x2048xf32, #tpu.memory_space<hbm>>
    %dma_wait3A_421 = tpu.memref_slice %arg6[%dma_wait3A_410] : memref<2x!tpu.dma_semaphore, #tpu.memory_space<semaphore_mem>> -> memref<1x!tpu.dma_semaphore, #tpu.memory_space<semaphore_mem>>
    %dma_wait3A_422 = tpu.memref_squeeze %dma_wait3A_421 : memref<1x!tpu.dma_semaphore, #tpu.memory_space<semaphore_mem>> -> memref<!tpu.dma_semaphore, #tpu.memory_space<semaphore_mem>>
    tpu.wait_indirect_dma semaphore(%dma_wait3A_422 : memref<!tpu.dma_semaphore, #tpu.memory_space<semaphore_mem>>) src(%dma_wait3A_420 : memref<8192x2048xf32, #tpu.memory_space<hbm>>) dst(%dma_wait3A_414 : memref<16x2048xf32, #tpu.memory_space<vmem>>)
    %add3A_423 = arith.constant 240 : i32
    %add3A_424 = arith.addi %add3A, %add3A_423 : i32
    %dma_start3A_425 = arith.constant 0 : i32
    %dma_start3A_426 = arith.constant 0 : i32
    %dma_start3A_427 = arith.constant 0 : i32
    %dma_start3A_428 = arith.constant 0 : i32
    %dma_start3A_429 = tpu.memref_slice %arg4[%dma_start3A_425, %dma_start3A_427, %dma_start3A_428] : memref<2x24x2048xf32, #tpu.memory_space<vmem>> -> memref<1x16x2048xf32, #tpu.memory_space<vmem>>
    %dma_start3A_430 = tpu.memref_squeeze %dma_start3A_429 : memref<1x16x2048xf32, #tpu.memory_space<vmem>> -> memref<16x2048xf32, #tpu.memory_space<vmem>>
    %dma_start3A_431 = arith.constant 0 : i32
    %dma_start3A_432 = tpu.memref_slice %arg3[%add3A_424, %dma_start3A_431] : memref<8192x2048xf32, #tpu.memory_space<hbm>> -> memref<16x2048xf32, #tpu.memory_space<hbm>>
    %dma_start3A_433 = tpu.memref_slice %arg7[%dma_start3A_426] : memref<2x!tpu.dma_semaphore, #tpu.memory_space<semaphore_mem>> -> memref<1x!tpu.dma_semaphore, #tpu.memory_space<semaphore_mem>>
    %dma_start3A_434 = tpu.memref_squeeze %dma_start3A_433 : memref<1x!tpu.dma_semaphore, #tpu.memory_space<semaphore_mem>> -> memref<!tpu.dma_semaphore, #tpu.memory_space<semaphore_mem>>
    %dma_start3A_435 = arith.constant 0 : i32
    %dma_start3A_436 = tpu.memref_slice %arg3[%add3A_424, %dma_start3A_435] : memref<8192x2048xf32, #tpu.memory_space<hbm>> -> memref<16x2048xf32, #tpu.memory_space<hbm>>
    %dma_start3A_437 = arith.constant 0 : i32
    %dma_start3A_438 = arith.constant 0 : i32
    %dma_start3A_439 = tpu.memref_slice %arg4[%dma_start3A_425, %dma_start3A_437, %dma_start3A_438] : memref<2x24x2048xf32, #tpu.memory_space<vmem>> -> memref<1x16x2048xf32, #tpu.memory_space<vmem>>
    %dma_start3A_440 = tpu.memref_squeeze %dma_start3A_439 : memref<1x16x2048xf32, #tpu.memory_space<vmem>> -> memref<16x2048xf32, #tpu.memory_space<vmem>>
    tpu.enqueue_dma source(%dma_start3A_440 : memref<16x2048xf32, #tpu.memory_space<vmem>>) target(%dma_start3A_436 : memref<16x2048xf32, #tpu.memory_space<hbm>>) target_semaphore(%dma_start3A_434 : memref<!tpu.dma_semaphore, #tpu.memory_space<semaphore_mem>>)
    %add3A_441 = arith.constant 216 : i32
    %add3A_442 = arith.addi %add3A, %add3A_441 : i32
    %dma_wait3A_443 = arith.constant 1 : i32
    %dma_wait3A_444 = arith.constant 1 : i32
    %dma_wait3A_445 = arith.constant 0 : i32
    %dma_wait3A_446 = arith.constant 0 : i32
    %dma_wait3A_447 = tpu.memref_slice %arg4[%dma_wait3A_443, %dma_wait3A_445, %dma_wait3A_446] : memref<2x24x2048xf32, #tpu.memory_space<vmem>> -> memref<1x24x2048xf32, #tpu.memory_space<vmem>>
    %dma_wait3A_448 = tpu.memref_squeeze %dma_wait3A_447 : memref<1x24x2048xf32, #tpu.memory_space<vmem>> -> memref<24x2048xf32, #tpu.memory_space<vmem>>
    %dma_wait3A_449 = arith.constant 0 : i32
    %dma_wait3A_450 = tpu.memref_slice %arg3[%add3A_442, %dma_wait3A_449] : memref<8192x2048xf32, #tpu.memory_space<hbm>> -> memref<24x2048xf32, #tpu.memory_space<hbm>>
    %dma_wait3A_451 = tpu.memref_slice %arg7[%dma_wait3A_444] : memref<2x!tpu.dma_semaphore, #tpu.memory_space<semaphore_mem>> -> memref<1x!tpu.dma_semaphore, #tpu.memory_space<semaphore_mem>>
    %dma_wait3A_452 = tpu.memref_squeeze %dma_wait3A_451 : memref<1x!tpu.dma_semaphore, #tpu.memory_space<semaphore_mem>> -> memref<!tpu.dma_semaphore, #tpu.memory_space<semaphore_mem>>
    %dma_wait3A_453 = arith.constant 0 : i32
    %dma_wait3A_454 = tpu.memref_slice %arg3[%add3A_442, %dma_wait3A_453] : memref<8192x2048xf32, #tpu.memory_space<hbm>> -> memref<24x2048xf32, #tpu.memory_space<hbm>>
    %dma_wait3A_455 = arith.constant 0 : i32
    %dma_wait3A_456 = arith.constant 0 : i32
    %dma_wait3A_457 = tpu.memref_slice %arg4[%dma_wait3A_443, %dma_wait3A_455, %dma_wait3A_456] : memref<2x24x2048xf32, #tpu.memory_space<vmem>> -> memref<1x24x2048xf32, #tpu.memory_space<vmem>>
    %dma_wait3A_458 = tpu.memref_squeeze %dma_wait3A_457 : memref<1x24x2048xf32, #tpu.memory_space<vmem>> -> memref<24x2048xf32, #tpu.memory_space<vmem>>
    tpu.wait_dma2 semaphore(%dma_wait3A_452 : memref<!tpu.dma_semaphore, #tpu.memory_space<semaphore_mem>>) src(%dma_wait3A_458 : memref<24x2048xf32, #tpu.memory_space<vmem>>) dst(%dma_wait3A_454 : memref<24x2048xf32, #tpu.memory_space<hbm>>)
    %add3A_459 = arith.constant 240 : i32
    %add3A_460 = arith.addi %add3A, %add3A_459 : i32
    %dma_wait3A_461 = arith.constant 0 : i32
    %dma_wait3A_462 = arith.constant 0 : i32
    %dma_wait3A_463 = arith.constant 0 : i32
    %dma_wait3A_464 = arith.constant 0 : i32
    %dma_wait3A_465 = tpu.memref_slice %arg4[%dma_wait3A_461, %dma_wait3A_463, %dma_wait3A_464] : memref<2x24x2048xf32, #tpu.memory_space<vmem>> -> memref<1x16x2048xf32, #tpu.memory_space<vmem>>
    %dma_wait3A_466 = tpu.memref_squeeze %dma_wait3A_465 : memref<1x16x2048xf32, #tpu.memory_space<vmem>> -> memref<16x2048xf32, #tpu.memory_space<vmem>>
    %dma_wait3A_467 = arith.constant 0 : i32
    %dma_wait3A_468 = tpu.memref_slice %arg3[%add3A_460, %dma_wait3A_467] : memref<8192x2048xf32, #tpu.memory_space<hbm>> -> memref<16x2048xf32, #tpu.memory_space<hbm>>
    %dma_wait3A_469 = tpu.memref_slice %arg7[%dma_wait3A_462] : memref<2x!tpu.dma_semaphore, #tpu.memory_space<semaphore_mem>> -> memref<1x!tpu.dma_semaphore, #tpu.memory_space<semaphore_mem>>
    %dma_wait3A_470 = tpu.memref_squeeze %dma_wait3A_469 : memref<1x!tpu.dma_semaphore, #tpu.memory_space<semaphore_mem>> -> memref<!tpu.dma_semaphore, #tpu.memory_space<semaphore_mem>>
    %dma_wait3A_471 = arith.constant 0 : i32
    %dma_wait3A_472 = tpu.memref_slice %arg3[%add3A_460, %dma_wait3A_471] : memref<8192x2048xf32, #tpu.memory_space<hbm>> -> memref<16x2048xf32, #tpu.memory_space<hbm>>
    %dma_wait3A_473 = arith.constant 0 : i32
    %dma_wait3A_474 = arith.constant 0 : i32
    %dma_wait3A_475 = tpu.memref_slice %arg4[%dma_wait3A_461, %dma_wait3A_473, %dma_wait3A_474] : memref<2x24x2048xf32, #tpu.memory_space<vmem>> -> memref<1x16x2048xf32, #tpu.memory_space<vmem>>
    %dma_wait3A_476 = tpu.memref_squeeze %dma_wait3A_475 : memref<1x16x2048xf32, #tpu.memory_space<vmem>> -> memref<16x2048xf32, #tpu.memory_space<vmem>>
    tpu.wait_dma2 semaphore(%dma_wait3A_470 : memref<!tpu.dma_semaphore, #tpu.memory_space<semaphore_mem>>) src(%dma_wait3A_476 : memref<16x2048xf32, #tpu.memory_space<vmem>>) dst(%dma_wait3A_472 : memref<16x2048xf32, #tpu.memory_space<hbm>>)
    return
  }
}

</mosaic_0001>

<sc_bundles>
// kernel: _shuffle.3.cloned.1.call-start
scs
__scs_entry_jumppad:
0x0: {  	(pc) =	sbr.rel $0x88, $3  }
0x1: {  	(tag) =	ssettag $0x0;
	lr =	simm.s32 $0x1  }
0x2: {  	[smem:$0x3FA0] =	sst lr;
	_ =	strace $0xD0000000  }
0x3: {  	_ = 	snop  }
0x4: {  	_ = 	snop  }
0x5: {  	_ = 	snop  }
0x6: {  	_ = 	snop  }
0x7: {  	_ = 	snop  }
__scs_overlays_trampoline_lowered:
0x8: {  	[smem:$0x3FAF] =	sst s0  }
0x9: {  	[smem:$0x3FB0] =	sst s1  }
0xa: {  	[smem:$0x3FB1] =	sst s2  }
0xb: {  	[smem:$0x3FB2] =	sst s3  }
0xc: {  	[smem:$0x3FB3] =	sst s4  }
0xd: {  	[smem:$0x3FB4] =	sst s5  }
0xe: {  	[smem:$0x3FB5] =	sst s6  }
0xf: {  	[smem:$0x3FB6] =	sst s7  }
0x10: {  	[smem:$0x3FB7] =	sst s8  }
0x11: {  	[smem:$0x3FB8] =	sst s9;
	s0 =	simm.s32 @!p0 $0x0  }
0x12: {  	s1 =	sld [smem:$0x3F9E];
	s0 =	simm.s32 @p0 $0x1  }
0x13: {  	[smem:$0x3FB9] =	sst s0;
	s0 =	simm.s32 @!p1 $0x0  }
0x14: {  	s2 =	sld [smem:$0x3F9D];
	s0 =	simm.s32 @p1 $0x1  }
0x15: {  	[smem:$0x3FBA] =	sst s0;
	s0 =	simm.s32 @!p2 $0x0  }
0x16: {  	s3 =	sld [smem:$0x3FDB];
	s0 =	simm.s32 @p2 $0x1  }
0x17: {  	s4 =	simm.s32 $0x1BF5;
	[smem:$0x3FBC] =	sst s0  }
0x18: {  	s0 =	sld [smem:$0x3F9F];
	_ =	swait.ge [sflag:s4], $0x0  }
0x19: {  	s7 =	sld [smem:$0x3FA0]  }
0x1a: {  	s8 =	sadd.s32 $0xFFFFE003, lr  }
0x1b: {  	s9 =	sadd.s32 $0xFFFFFEF7, lr;
	s5 =	simm.s32 $0xFFFFFFFF;
	p2 =	slt.u32 s8, $0xFFFFF086  }
0x1c: {  	p1 =	slt.u32 s9, $0xF7A;
	s5 =	simm.s32 @!p2 $0x0  }
0x1d: {  	s5 =	simm.s32 @p1 $0x1;
	p0 =	seq.s32 s7, s2  }
0x1e: {  	s7 =	smul.u32 @!p0 $0xF7A, s2;
	p2 =	seq.s32 @!p0 s5, $0x0  }
0x1f: {  	s9 =	smul.u32 $0xF7A, s1;
	s8 =	simm.s32 @!p0 $0x1BF5;
	p2 =	por !p2, p0  }
0x20: {  	[sflag:s8] =	ssyncset.s32 @!p0 $0xFFFFF086;
	s6 =	sadd.s32 @!p0 s3, s7;
	s7 =	simm.s32 @!p0 $0x108  }
0x21: {  	s3 =	sadd.s32 s3, s9;
	s6 =	sadd.s32 @!p0 $0x88, s6;
	s7 =	simm.s32 @p2 $0x1082  }
0x22: {  	[simem:s7], [sflag:s8] =	dma.local @!p0 [hbm:s6], $0xF7A  }
0x23: {  	s9 =	sor.u32 $0xD0000000, s2;
	s6 =	simm.s32 $0x108;
	_ =	swait.ge @!p0 [sflag:s8], $0x0  }
0x24: {  	s3 =	sadd.s32 $0x88, s3;
	s6 =	simm.s32 @!p1 $0x1082;
	[sflag:s4] =	ssyncset.s32 $0xFFFFF086  }
0x25: {  	[simem:s6], [sflag:s4] =	dma.local [hbm:s3], $0xF7A  }
0x26: {  	[smem:$0x3FA0] =	sst s1;
	(tag) =	ssettag s2;
	_ =	strace s9  }
0x27: {  	s1 =	sld [smem:$0x3FB0]  }
0x28: {  	s2 =	sld [smem:$0x3FB1]  }
0x29: {  	s4 =	sld [smem:$0x3FB3]  }
0x2a: {  	p0 =	seq.s32 s5, $0x0;
	s5 =	sld [smem:$0x3FB4]  }
0x2b: {  	s6 =	sld [smem:$0x3FB5]  }
0x2c: {  	s7 =	sld [smem:$0x3FB6]  }
0x2d: {  	s3 =	simm.s32 $0x108;
	s8 =	sld [smem:$0x3FB7]  }
0x2e: {  	s3 =	simm.s32 @!p0 $0x1082;
	s9 =	sld [smem:$0x3FB8]  }
0x2f: {  	lr =	sadd.s32 s0, s3;
	s0 =	sld [smem:$0x3FAF]  }
0x30: {  	s3 =	sld [smem:$0x3FB2]  }
0x31: {  	[smem:$0x3FBB] =	sst s10  }
0x32: {  	s10 =	sld [smem:$0x3FB9];
	_ =	sdelay $0x3  }
0x33: {  	p0 =	seq.s32 s10, $0x1;
	s10 =	sld [smem:$0x3FBB];
	_ =	sdelay $0x3  }
0x34: {  	[smem:$0x3FBB] =	sst s10  }
0x35: {  	s10 =	sld [smem:$0x3FBA];
	_ =	sdelay $0x3  }
0x36: {  	p1 =	seq.s32 s10, $0x1;
	s10 =	sld [smem:$0x3FBB];
	_ =	sdelay $0x3  }
0x37: {  	[smem:$0x3FBB] =	sst s10  }
0x38: {  	s10 =	sld [smem:$0x3FBC]  }
0x39: {  	_ = 	snop;
	(pc) =	sbr.ind lr, $3  }
0x3a: {  	_ = 	snop  }
0x3b: {  	_ = 	snop  }
0x3c: {  	p2 =	seq.s32 s10, $0x1;
	s10 =	sld [smem:$0x3FBB]  }
0x3d: {  	_ =	shalt  }
0x3e: {  	_ =	shalt  }
0x3f: {  	_ =	shalt  }
0x40: {  	_ =	shalt  }
0x41: {  	_ =	shalt  }
0x42: {  	_ =	shalt  }
0x43: {  	_ =	shalt  }
0x44: {  	_ =	shalt  }
0x45: {  	_ =	shalt  }
0x46: {  	_ =	shalt  }
0x47: {  	_ =	shalt  }
0x48: {  	_ =	shalt  }
0x49: {  	_ =	shalt  }
0x4a: {  	_ =	shalt  }
0x4b: {  	_ =	shalt  }
0x4c: {  	_ =	shalt  }
0x4d: {  	_ =	shalt  }
0x4e: {  	_ =	shalt  }
0x4f: {  	_ =	shalt  }
0x50: {  	_ =	shalt  }
0x51: {  	_ =	shalt  }
0x52: {  	_ =	shalt  }
0x53: {  	_ =	shalt  }
0x54: {  	_ =	shalt  }
0x55: {  	_ =	shalt  }
0x56: {  	_ =	shalt  }
0x57: {  	_ =	shalt  }
0x58: {  	_ =	shalt  }
0x59: {  	_ =	shalt  }
0x5a: {  	_ =	shalt  }
0x5b: {  	_ =	shalt  }
0x5c: {  	_ =	shalt  }
0x5d: {  	_ =	shalt  }
0x5e: {  	_ =	shalt  }
0x5f: {  	_ =	shalt  }
0x60: {  	_ =	shalt  }
0x61: {  	_ =	shalt  }
0x62: {  	_ =	shalt  }
0x63: {  	_ =	shalt  }
0x64: {  	_ =	shalt  }
0x65: {  	_ =	shalt  }
0x66: {  	_ =	shalt  }
0x67: {  	_ =	shalt  }
0x68: {  	_ =	shalt  }
0x69: {  	_ =	shalt  }
0x6a: {  	_ =	shalt  }
0x6b: {  	_ =	shalt  }
0x6c: {  	_ =	shalt  }
0x6d: {  	_ =	shalt  }
0x6e: {  	_ =	shalt  }
0x6f: {  	_ =	shalt  }
0x70: {  	_ =	shalt  }
0x71: {  	_ =	shalt  }
0x72: {  	_ =	shalt  }
0x73: {  	_ =	shalt  }
0x74: {  	_ =	shalt  }
0x75: {  	_ =	shalt  }
0x76: {  	_ =	shalt  }
0x77: {  	_ =	shalt  }
0x78: {  	_ =	shalt  }
0x79: {  	_ =	shalt  }
0x7a: {  	_ =	shalt  }
0x7b: {  	_ =	shalt  }
0x7c: {  	_ =	shalt  }
0x7d: {  	_ =	shalt  }
0x7e: {  	_ =	shalt  }
0x7f: {  	_ =	shalt  }
0x80: {  	_ =	shalt  }
0x81: {  	_ =	shalt  }
0x82: {  	_ =	shalt  }
0x83: {  	_ =	shalt  }
0x84: {  	_ =	shalt  }
0x85: {  	_ =	shalt  }
0x86: {  	_ =	shalt  }
0x87: {  	_ =	shalt  }
.Lfunc_end0:
.L_simem_size_0:
called_computation_lowered:
.L_overlay_start_0:
0x88: {  	s2 =	sld [smem:$0x3FD9]  }
0x89: {  	s3 =	sld [smem:$0x3FFE];
	_ =	sdelay $0x1  }
0x8a: {  	s1 =	srdreg.scid  }
0x8b: {  	s0 =	sand.u32 $0x1, s1  }
0x8c: {  	s18 =	sshll.u32 s0, $0xA;
	s2 =	sadd.s32 s3, s2  }
0x8d: {  	s2 =	sadd.s32 s2, s18  }
0x8e: {  	[smem:$0x3FC7] =	sst s2  }
0x8f: {  	_ = 	snop  }
0x90: {  	s2 =	sld [smem:$0x3FC9]  }
0x91: {  	s19 =	sld [smem:$0x3FD0];
	(tm) =	ssettm $0x1  }
0x92: {  	s4 =	sld [smem:$0x3FFB];
	_ =	sdelay $0x3  }
0x93: {  	_ =	strace s4  }
0x94: {  	s4 =	sld [smem:$0x3FFC];
	_ =	sdelay $0x3  }
0x95: {  	_ =	strace s4  }
0x96: {  	s4 =	sld [smem:$0x3FFD];
	_ =	sdelay $0x3  }
0x97: {  	_ =	strace s4  }
0x98: {  	_ =	strace $0x8FFFFFFF  }
0x99: {  	s20 =	sld [smem:$0x3FDB];
	_ =	sdelay $0x1  }
0x9a: {  	s5 =	simm.s32 $_scs_section_size  }
0x9b: {  	s6 =	simm.s32 $_size__tile_overlayer_lowered;
	s7 =	simm.s32 $_tile_overlayer_lowered  }
0x9c: {  	s23 =	simm.s32 $0x1BFF;
	s22 =	sshll.u32 s7, $0x1;
	s4 =	sadd.s32 s5, s20  }
0x9d: {  	s8 =	simm.s32 $0x0;
	s21 =	sshll.u32 s6, $0x1;
	s6 =	sadd.s32 s22, s4  }
0x9e: {  	[timem:s8], [sflag:s23] =	dma.local [hbm:s6], s21  }
0x9f: {  	_ =	swait.ge [sflag:s23], s21  }
0xa0: {  	s5 =	ssub.s32 $0x0, s21;
	[sflag:s23] =	ssyncset.done $0x0  }
0xa1: {  	[sflag:s23] =	ssyncadd.s32 s5;
	_ =	sdelay $0x1  }
0xa2: {  	s24 =	simm.s32 $0x1B8B  }
0xa3: {  	_ =	swait.ge [sflag:s24], $0x1  }
0xa4: {  	[sflag:s24] =	ssyncset.done $0x0  }
0xa5: {  	s25 =	simm.s32 $0x1B8E;
	[sflag:s24] =	ssyncadd.s32 $0xFFFFFFFF  }
0xa6: {  	s26 =	simm.s32 $execute0_lowered;
	[smem:$0x3FD2] =	sst s25  }
0xa7: {  	s5 =	sshll.u32 s26, $0x1;
	_ =	strace $0x80000046;
	[dreg:$0x1] =	wrdreg $0xFFFFFFFF  }
0xa8: {  	s28 =	simm.s32 $_size_execute0_lowered;
	s4 =	sadd.s32 s4, s5;
	[dreg:$0x0] =	wrdreg $0x0  }
0xa9: {  	s5 =	sshll.u32 s28, $0x1;
	[dreg:$0x2] =	wrdreg s4  }
0xaa: {  	[dreg:$0x3] =	wrdreg s5  }
0xab: {  	[dreg:$0x4] =	wrdreg $0xC0  }
0xac: {  	_ =	task [dreg:s8], $0x5FFFF  }
0xad: {  	[dreg:$0x1] =	wrdreg $0xFFFFFFFF  }
0xae: {  	[dreg:$0x0] =	wrdreg $0x60  }
0xaf: {  	[dreg:$0x2] =	wrdreg s2  }
0xb0: {  	[dreg:$0x3] =	wrdreg s19  }
0xb1: {  	[dreg:$0x4] =	wrdreg $0x9  }
0xb2: {  	_ =	task.clear_ibuf [dreg:s8], $0x5FFFF;
	_ =	strace $0x90000046  }
0xb3: {  	s29 =	simm.s32 $0x9;
	_ =	strace $0x80000048  }
0xb4: {  	_ =	swait.ge [sflag:s29], $0x1  }
0xb5: {  	[sflag:s29] =	ssyncadd.s32 $0xFFFFFFFF  }
0xb6: {  	_ =	strace $0x90000048  }
0xb7: {  	_ =	sfence  }
0xb8: {  	s30 =	sld [smem:$0x0];
	_ =	sdelay $0x2  }
0xb9: {  	s31 =	sshll.u32 s1, $0xD;
	s1 =	sshrl.u32 s1, $0x2  }
0xba: {  	s3 =	sand.u32 $0x4000, s31;
	s1 =	sadd.s32 s1, s30  }
0xbb: {  	s0 =	sor.u32 s3, s0;
	s1 =	sshll.u32 s1, $0x11  }
0xbc: {  	s0 =	sor.u32 s1, s0  }
0xbd: {  	s0 =	sadd.s32 $0x8F2B, s0  }
0xbe: {  	[sflag:s0] =	ssyncadd.remote.s32 $0x1  }
0xbf: {  	_ =	sfence.sel $0xFFFF  }
0xc0: {  	[dreg:$0x0] =	wrdreg $0xFFFFFFFF;
	(pc) =	sbr.abs _section_cstart, $3  }
0xc1: {  	[dreg:$0x1] =	wrdreg $0xFFFFFFFF  }
0xc2: {  	_ =	task.clear_ibuf [dreg:s8], $0x2FFFF;
	_ =	strace $0x9FFFFFFF  }
0xc3: {  	(tm) =	ssettm $0x7FFFFFFF  }
tec
execute0_lowered:
.L_overlay_start_1:
0x0: {  	(tag) =	ssettag $0x1  }
0x1: {  	s1 =	rddreg [dreg:$0x0]  }
0x2: {  	s0 =	rddreg [dreg:$0x1];
	s2 =	srdreg.scid  }
0x3: {  	s3 =	simm.s32 $0x0;
	s7 =	stileid.u32;
	s26 =	simm.s32 $0x5800  }
0x4: {  	s28 =	simm.s32 $0x6000;
	s29 =	simm.s32 $0x6800;
	s30 =	simm.s32 $0x7000  }
0x5: {  	s2 =	sand.u32 $0x1, s2;
	[smem:$0x7FF] =	sst s3;
	s6 =	sshll.u32 s7, $0x9  }
0x6: {  	s20 =	sshll.u32 s7, $0x10;
	s7 =	sadd.s32 $0x400, s1;
	s8 =	sadd.s32 $0x500, s1  }
0x7: {  	s9 =	sadd.s32 $0x600, s1;
	s4 =	ssub.s32 $0x2, s2;
	_ =	strace $0x80000047  }
0x8: {  	v23 =	vlaneseq.u32;
	s10 =	sor.u32 s2, s6;
	s6 =	sadd.s32 $0x300, s1;
	s2 =	sshll.u32 s2, $0x14  }
0x9: {  	v20 =	vmul.u32 $0x2, v23;
	s5 =	sshrl.u32 s4, $0x1;
	s12 =	sor.u32 $0x30, s10;
	s14 =	sor.u32 $0x60, s10  }
0xa: {  	vm0 =	vmmov $0xffff;
	v21 =	vand.u32 $0x7, v23;
	v22 =	vshrl.u32 v23, $0x3;
	s15 =	sor.u32 $0x90, s10;
	s16 =	sor.u32 $0xC0, s10;
	s17 =	sor.u32 $0xF0, s10  }
0xb: {  	v23 =	vor.u32 $0x8, v23;
	s18 =	sor.u32 $0x120, s10;
	s19 =	sor.u32 $0x150, s10;
	s21 =	sor.u32 $0x180, s10;
	v19 =	vadd.s32 $0x10, v20;
	v0 =	vor.u32 s10, v20  }
0xc: {  	s22 =	sor.u32 $0x1B0, s10;
	s31 =	sor.u32 $0x1E0, s10;
	s11 =	sor.u32 s20, s2;
	v1 =	vor.u32 s10, v19;
	v2 =	vadd.s32 s12, v20;
	v4 =	vor.u32 s14, v20  }
0xd: {  	s13 =	ssub.s32 s4, s5;
	s4 =	sadd.s32 $0x100, s1;
	s5 =	sadd.s32 $0x200, s1;
	v6 =	vadd.s32 s15, v20;
	v7 =	vadd.s32 s15, v19;
	v8 =	vor.u32 s16, v20  }
0xe: {  	s23 =	sadd.s32 s11, s0;
	s0 =	sadd.s32 s2, s0;
	s10 =	sadd.s32 $0x700, s1;
	v10 =	vadd.s32 s17, v20;
	v12 =	vor.u32 s18, v20;
	v14 =	vadd.s32 s19, v20  }
0xf: {  	s15 =	simm.s32 $0x3;
	v16 =	vor.u32 s21, v20;
	v18 =	vadd.s32 s22, v20;
	v20 =	vor.u32 s31, v20;
	s31 =	simm.s32 $0x7800;
	s2 =	simm.s32 $0xC000  }
0x10: {  	v9 =	vor.u32 s16, v19;
	v11 =	vadd.s32 s17, v19;
	v13 =	vadd.s32 s18, v19;
	s16 =	simm.s32 $0x1;
	s17 =	simm.s32 $0x4;
	s18 =	simm.s32 $0x0  }
0x11: {  	v22 =	vmul.u32 $0x8, v22;
	v3 =	vadd.s32 s12, v19;
	v5 =	vadd.s32 s14, v19;
	s11 =	sadd.s32 $0xD800, s23;
	s0 =	sadd.s32 s20, s0;
	s12 =	sadd.s32 $0xF000, s23  }
0x12: {  	v15 =	vadd.s32 s19, v19;
	v17 =	vor.u32 s21, v19;
	v19 =	vadd.s32 s22, v19;
	s13 =	smax.u32 s13, $0x1;
	s20 =	sadd.s32 $0xFFFFE800, s0;
	s0 =	simm.s32 $0x2  }
.LBB2_1:
0x13: {  	[tilespmem:$0x18000] =	vst v0  }
0x14: {  	[tilespmem:$0x18080] =	vst v2  }
0x15: {  	[tilespmem:$0x18100] =	vst v4  }
0x16: {  	[tilespmem:$0x18180] =	vst v6  }
0x17: {  	[tilespmem:$0x18200] =	vst v8  }
0x18: {  	[tilespmem:$0x18280] =	vst v10  }
0x19: {  	[tilespmem:$0x18300] =	vst v12  }
0x1a: {  	[tilespmem:$0x18380] =	vst v14  }
0x1b: {  	[tilespmem:$0x18400] =	vst v16  }
0x1c: {  	[tilespmem:$0x18480] =	vst v18  }
0x1d: {  	[tilespmem:$0x18500] =	vst v20  }
0x1e: {  	[tilespmem:$0x18008] =	vst v1  }
0x1f: {  	[tilespmem:$0x18088] =	vst v3  }
0x20: {  	[tilespmem:$0x18108] =	vst v5  }
0x21: {  	[tilespmem:$0x18188] =	vst v7  }
0x22: {  	[tilespmem:$0x18208] =	vst v9  }
0x23: {  	[tilespmem:$0x18288] =	vst v11  }
0x24: {  	[tilespmem:$0x18308] =	vst v13  }
0x25: {  	[tilespmem:$0x18388] =	vst v15  }
0x26: {  	[tilespmem:$0x18408] =	vst v17  }
0x27: {  	s19 =	simm.s32 $0x18010;
	s14 =	smov.u32 s20;
	s21 =	simm.s32 $0x0;
	[tilespmem:$0x18488] =	vst v19  }
.LBB2_2:
0x28: {  	s22 =	sand.u32 $0x1, s21;
	p0 =	slt.u32 s21, $0x2  }
0x29: {  	s23 =	sadd.s32 @!p0 $0x3, s22  }
0x2a: {  	_ =	swait.ge @!p0 [sflag:s23], $0xC000  }
0x2b: {  	[sflag:s23] =	ssyncset.done @!p0 $0x0  }
0x2c: {  	[sflag:s23] =	ssyncadd.s32 @!p0 $0xFFFF4000  }
0x2d: {  	v24 =	vld [tilespmem:s19+$0xFFFFFFF0];
	_ =	sdelay $0x4  }
0x2e: {  	v25 =	vshll.u32 v24, $0x4  }
0x2f: {  	v24 =	vand.u32 $0x7, v24;
	v25 =	vand.u32 $0xFFFFFF80, v25  }
0x30: {  	v24 =	vor.u32 v24, v25  }
0x31: {  	v25 =	vperm.xlane v24, v21;
	_ =	sdelay $0x1  }
0x32: {  	v25 =	vadd.s32 v22, v25;
	_ =	sdelay $0x1  }
0x33: {  	s25 =	smul.u32 $0x30000, s22;
	_ =	sdelay $0x1  }
0x34: {  	s24 =	sadd.s32 $0x1, s22;
	s23 =	sshrl.u32 s25, $0x2  }
0x35: {  	[tilespmem:s23], [sflag:s24] =	stream.indirect_vreg.gather [hbm4b:s1+s3], $0x80, v25, vm0, $0xb8;
	[tilespmem:$0x18800] =	vst v63  }
0x36: {  	s25 =	sor.u32 $0x800, s23  }
0x37: {  	[tilespmem:s25], [sflag:s24] =	stream.indirect_vreg.gather [hbm4b:s4+s3], $0x80, v25, vm0, $0xb8;
	[tilespmem:$0x18800] =	vst v63  }
0x38: {  	s25 =	sor.u32 $0x1000, s23  }
0x39: {  	[tilespmem:s25], [sflag:s24] =	stream.indirect_vreg.gather [hbm4b:s5+s3], $0x80, v25, vm0, $0xb8;
	[tilespmem:$0x18800] =	vst v63  }
0x3a: {  	s25 =	sor.u32 $0x1800, s23  }
0x3b: {  	[tilespmem:s25], [sflag:s24] =	stream.indirect_vreg.gather [hbm4b:s6+s3], $0x80, v25, vm0, $0xb8;
	[tilespmem:$0x18800] =	vst v63  }
0x3c: {  	s25 =	sor.u32 $0x2000, s23  }
0x3d: {  	[tilespmem:s25], [sflag:s24] =	stream.indirect_vreg.gather [hbm4b:s7+s3], $0x80, v25, vm0, $0xb8;
	[tilespmem:$0x18800] =	vst v63  }
0x3e: {  	v24 =	vperm.xlane v24, v23;
	s25 =	sor.u32 $0x2800, s23  }
0x3f: {  	[tilespmem:s25], [sflag:s24] =	stream.indirect_vreg.gather [hbm4b:s8+s3], $0x80, v25, vm0, $0xb8;
	[tilespmem:$0x18800] =	vst v63  }
0x40: {  	v24 =	vadd.s32 v22, v24;
	s25 =	sor.u32 $0x3000, s23  }
0x41: {  	[tilespmem:s25], [sflag:s24] =	stream.indirect_vreg.gather [hbm4b:s9+s3], $0x80, v25, vm0, $0xb8;
	[tilespmem:$0x18800] =	vst v63  }
0x42: {  	s25 =	sor.u32 $0x3800, s23  }
0x43: {  	[tilespmem:s25], [sflag:s24] =	stream.indirect_vreg.gather [hbm4b:s10+s3], $0x80, v25, vm0, $0xb8;
	[tilespmem:$0x18800] =	vst v63  }
0x44: {  	s25 =	sadd.s32 $0x4000, s23  }
0x45: {  	[tilespmem:s25], [sflag:s24] =	stream.indirect_vreg.gather [hbm4b:s1+s3], $0x80, v24, vm0, $0xb8;
	[tilespmem:$0x18800] =	vst v63  }
0x46: {  	s25 =	sadd.s32 $0x4800, s23  }
0x47: {  	[tilespmem:s25], [sflag:s24] =	stream.indirect_vreg.gather [hbm4b:s4+s3], $0x80, v24, vm0, $0xb8;
	[tilespmem:$0x18800] =	vst v63  }
0x48: {  	s25 =	sadd.s32 $0x5000, s23  }
0x49: {  	[tilespmem:s25], [sflag:s24] =	stream.indirect_vreg.gather [hbm4b:s5+s3], $0x80, v24, vm0, $0xb8;
	[tilespmem:$0x18800] =	vst v63  }
0x4a: {  	s25 =	sadd.s32 $0x5800, s23  }
0x4b: {  	[tilespmem:s25], [sflag:s24] =	stream.indirect_vreg.gather [hbm4b:s6+s3], $0x80, v24, vm0, $0xb8;
	[tilespmem:$0x18800] =	vst v63  }
0x4c: {  	s25 =	sadd.s32 $0x6000, s23  }
0x4d: {  	[tilespmem:s25], [sflag:s24] =	stream.indirect_vreg.gather [hbm4b:s7+s3], $0x80, v24, vm0, $0xb8;
	[tilespmem:$0x18800] =	vst v63  }
0x4e: {  	s25 =	sadd.s32 $0x6800, s23  }
0x4f: {  	[tilespmem:s25], [sflag:s24] =	stream.indirect_vreg.gather [hbm4b:s8+s3], $0x80, v24, vm0, $0xb8;
	[tilespmem:$0x18800] =	vst v63  }
0x50: {  	s25 =	sadd.s32 $0x7000, s23  }
0x51: {  	[tilespmem:s25], [sflag:s24] =	stream.indirect_vreg.gather [hbm4b:s9+s3], $0x80, v24, vm0, $0xb8;
	[tilespmem:$0x18800] =	vst v63  }
0x52: {  	s25 =	sadd.s32 $0x7800, s23  }
0x53: {  	[tilespmem:s25], [sflag:s24] =	stream.indirect_vreg.gather [hbm4b:s10+s3], $0x80, v24, vm0, $0xb8;
	[tilespmem:$0x18800] =	vst v63  }
0x54: {  	v24 =	vld.msk [tilespmem:s19+$0x0], $0xff;
	_ =	sdelay $0x4  }
0x55: {  	v63 =	vshll.u32 v24, $0x4  }
0x56: {  	v24 =	vand.u32 $0x7, v24;
	v25 =	vand.u32 $0xFFFFFF80, v63  }
0x57: {  	v24 =	vor.u32 v24, v25  }
0x58: {  	v24 =	vperm.xlane v24, v21;
	_ =	sdelay $0x1  }
0x59: {  	v24 =	vadd.s32 v22, v24;
	_ =	sdelay $0x3  }
0x5a: {  	s25 =	sadd.s32 $0x8000, s23  }
0x5b: {  	[tilespmem:s25], [sflag:s24] =	stream.indirect_vreg.gather [hbm4b:s1+s3], $0x80, v24, vm0, $0xb8;
	[tilespmem:$0x18800] =	vst v63  }
0x5c: {  	s25 =	sadd.s32 $0x8800, s23  }
0x5d: {  	[tilespmem:s25], [sflag:s24] =	stream.indirect_vreg.gather [hbm4b:s4+s3], $0x80, v24, vm0, $0xb8;
	[tilespmem:$0x18800] =	vst v63  }
0x5e: {  	s25 =	sadd.s32 $0x9000, s23  }
0x5f: {  	[tilespmem:s25], [sflag:s24] =	stream.indirect_vreg.gather [hbm4b:s5+s3], $0x80, v24, vm0, $0xb8;
	[tilespmem:$0x18800] =	vst v63  }
0x60: {  	s25 =	sadd.s32 $0x9800, s23  }
0x61: {  	[tilespmem:s25], [sflag:s24] =	stream.indirect_vreg.gather [hbm4b:s6+s3], $0x80, v24, vm0, $0xb8;
	[tilespmem:$0x18800] =	vst v63  }
0x62: {  	s25 =	sadd.s32 $0xA000, s23  }
0x63: {  	[tilespmem:s25], [sflag:s24] =	stream.indirect_vreg.gather [hbm4b:s7+s3], $0x80, v24, vm0, $0xb8;
	[tilespmem:$0x18800] =	vst v63  }
0x64: {  	s25 =	sadd.s32 $0xA800, s23  }
0x65: {  	[tilespmem:s25], [sflag:s24] =	stream.indirect_vreg.gather [hbm4b:s8+s3], $0x80, v24, vm0, $0xb8;
	[tilespmem:$0x18800] =	vst v63  }
0x66: {  	p0 =	seq.s32 s21, $0x0;
	s25 =	sadd.s32 $0xB000, s23  }
0x67: {  	[tilespmem:s25], [sflag:s24] =	stream.indirect_vreg.gather [hbm4b:s9+s3], $0x80, v24, vm0, $0xb8;
	[tilespmem:$0x18800] =	vst v63  }
0x68: {  	s22 =	sxor.u32 @!p0 $0x1, s22;
	s23 =	sadd.s32 $0xB800, s23  }
0x69: {  	[tilespmem:s23], [sflag:s24] =	stream.indirect_vreg.gather [hbm4b:s10+s3], $0x80, v24, vm0, $0xb8;
	[tilespmem:$0x18800] =	vst v63  }
0x6a: {  	s23 =	sadd.s32 @!p0 $0x1, s22  }
0x6b: {  	s24 =	smul.u32 @!p0 $0x30000, s22;
	_ =	swait.ge @!p0 [sflag:s23], $0xC000  }
0x6c: {  	s21 =	sadd.s32 $0x1, s21;
	s22 =	sadd.s32 @!p0 $0x3, s22;
	[sflag:s23] =	ssyncset.done @!p0 $0x0  }
0x6d: {  	[sflag:s23] =	ssyncadd.s32 @!p0 $0xFFFF4000;
	s23 =	sshrl.u32 @!p0 s24, $0x2;
	s24 =	simm.s32 @!p0 $0x0  }
0x6e: {  	[hbm4b:s14+s24] =	stream.linear.scatter @!p0 [tilespmem:s23], [sflag:s22], $0xC000, $0x38;
	[tilespmem:$0x18800] =	vst v63  }
0x6f: {  	p0 =	sne.s32 s21, $0xA  }
.Ltmp0:
0x70: {  	_ = 	snop;
	(pc) =	sbr.rel @p0 .LBB2_2-.Ltmp0, $2  }
0x71: {  	_ =	sdelay $0x2  }
0x72: {  	s19 =	sadd.s32 $0x80, s19;
	s14 =	sadd.s32 $0x1800, s14  }
0x73: {  	_ =	swait.ge [sflag:s15], $0xC000  }
0x74: {  	[sflag:s15] =	ssyncset.done $0x0  }
0x75: {  	[sflag:s15] =	ssyncadd.s32 $0xFFFF4000  }
0x76: {  	v24 =	vld [tilespmem:$0x18500];
	_ =	sdelay $0x4  }
0x77: {  	v25 =	vshll.u32 v24, $0x4  }
0x78: {  	v24 =	vand.u32 $0x7, v24;
	v25 =	vand.u32 $0xFFFFFF80, v25  }
0x79: {  	v24 =	vor.u32 v24, v25  }
0x7a: {  	v25 =	vperm.xlane v24, v21;
	_ =	sdelay $0x1  }
0x7b: {  	v25 =	vadd.s32 v22, v25;
	_ =	sdelay $0x4  }
0x7c: {  	[tilespmem:s3], [sflag:$0x1] =	stream.indirect_vreg.gather [hbm4b:s1+s3], $0x80, v25, vm0, $0xb8;
	[tilespmem:$0x18800] =	vst v63  }
0x7d: {  	s14 =	simm.s32 $0x800  }
0x7e: {  	[tilespmem:s14], [sflag:$0x1] =	stream.indirect_vreg.gather [hbm4b:s4+s3], $0x80, v25, vm0, $0xb8;
	[tilespmem:$0x18800] =	vst v63  }
0x7f: {  	s23 =	simm.s32 $0x1000  }
0x80: {  	[tilespmem:s23], [sflag:$0x1] =	stream.indirect_vreg.gather [hbm4b:s5+s3], $0x80, v25, vm0, $0xb8;
	[tilespmem:$0x18800] =	vst v63  }
0x81: {  	s24 =	simm.s32 $0x1800  }
0x82: {  	[tilespmem:s24], [sflag:$0x1] =	stream.indirect_vreg.gather [hbm4b:s6+s3], $0x80, v25, vm0, $0xb8;
	[tilespmem:$0x18800] =	vst v63  }
0x83: {  	s25 =	simm.s32 $0x2000  }
0x84: {  	[tilespmem:s25], [sflag:$0x1] =	stream.indirect_vreg.gather [hbm4b:s7+s3], $0x80, v25, vm0, $0xb8;
	[tilespmem:$0x18800] =	vst v63  }
0x85: {  	s19 =	simm.s32 $0x2800;
	v24 =	vperm.xlane v24, v23  }
0x86: {  	[tilespmem:s19], [sflag:$0x1] =	stream.indirect_vreg.gather [hbm4b:s8+s3], $0x80, v25, vm0, $0xb8;
	[tilespmem:$0x18800] =	vst v63  }
0x87: {  	s21 =	simm.s32 $0x3000;
	v24 =	vadd.s32 v22, v24  }
0x88: {  	[tilespmem:s21], [sflag:$0x1] =	stream.indirect_vreg.gather [hbm4b:s9+s3], $0x80, v25, vm0, $0xb8;
	[tilespmem:$0x18800] =	vst v63  }
0x89: {  	s22 =	simm.s32 $0x3800  }
0x8a: {  	[tilespmem:s22], [sflag:$0x1] =	stream.indirect_vreg.gather [hbm4b:s10+s3], $0x80, v25, vm0, $0xb8;
	[tilespmem:$0x18800] =	vst v63  }
0x8b: {  	s23 =	simm.s32 $0x4000  }
0x8c: {  	[tilespmem:s23], [sflag:$0x1] =	stream.indirect_vreg.gather [hbm4b:s1+s3], $0x80, v24, vm0, $0xb8;
	[tilespmem:$0x18800] =	vst v63  }
0x8d: {  	s24 =	simm.s32 $0x4800  }
0x8e: {  	[tilespmem:s24], [sflag:$0x1] =	stream.indirect_vreg.gather [hbm4b:s4+s3], $0x80, v24, vm0, $0xb8;
	[tilespmem:$0x18800] =	vst v63  }
0x8f: {  	s25 =	simm.s32 $0x5000  }
0x90: {  	[tilespmem:s25], [sflag:$0x1] =	stream.indirect_vreg.gather [hbm4b:s5+s3], $0x80, v24, vm0, $0xb8;
	[tilespmem:$0x18800] =	vst v63  }
0x91: {  	_ = 	snop  }
0x92: {  	[tilespmem:s26], [sflag:$0x1] =	stream.indirect_vreg.gather [hbm4b:s6+s3], $0x80, v24, vm0, $0xb8;
	[tilespmem:$0x18800] =	vst v63  }
0x93: {  	_ = 	snop  }
0x94: {  	[tilespmem:s28], [sflag:$0x1] =	stream.indirect_vreg.gather [hbm4b:s7+s3], $0x80, v24, vm0, $0xb8;
	[tilespmem:$0x18800] =	vst v63  }
0x95: {  	_ = 	snop  }
0x96: {  	[tilespmem:s29], [sflag:$0x1] =	stream.indirect_vreg.gather [hbm4b:s8+s3], $0x80, v24, vm0, $0xb8;
	[tilespmem:$0x18800] =	vst v63  }
0x97: {  	_ = 	snop  }
0x98: {  	[tilespmem:s30], [sflag:$0x1] =	stream.indirect_vreg.gather [hbm4b:s9+s3], $0x80, v24, vm0, $0xb8;
	[tilespmem:$0x18800] =	vst v63  }
0x99: {  	_ = 	snop  }
0x9a: {  	[tilespmem:s31], [sflag:$0x1] =	stream.indirect_vreg.gather [hbm4b:s10+s3], $0x80, v24, vm0, $0xb8;
	[tilespmem:$0x18800] =	vst v63  }
0x9b: {  	_ =	swait.ge [sflag:s0], $0xC000  }
0x9c: {  	[sflag:s0] =	ssyncset.done $0x0  }
0x9d: {  	[sflag:s0] =	ssyncadd.s32 $0xFFFF4000  }
0x9e: {  	[hbm4b:s11+s3] =	stream.linear.scatter [tilespmem:s2], [sflag:$0x4], $0xC000, $0x38;
	[tilespmem:$0x18800] =	vst v63  }
0x9f: {  	_ =	swait.ge [sflag:s16], $0x8000  }
0xa0: {  	[sflag:s16] =	ssyncset.done $0x0  }
0xa1: {  	s18 =	sadd.s32 $0x1, s18;
	[sflag:s16] =	ssyncadd.s32 $0xFFFF8000  }
0xa2: {  	[hbm4b:s12+s3] =	stream.linear.scatter [tilespmem:s3], [sflag:$0x3], $0x8000, $0x38;
	[tilespmem:$0x18800] =	vst v63  }
0xa3: {  	p0 =	sne.s32 s18, s13;
	_ =	swait.ge [sflag:s17], $0xC000  }
.Ltmp1:
0xa4: {  	[sflag:s17] =	ssyncset.done $0x0;
	(pc) =	sbr.rel @p0 .LBB2_1-.Ltmp1, $4  }
0xa5: {  	[sflag:s17] =	ssyncadd.s32 $0xFFFF4000  }
0xa6: {  	_ =	swait.ge [sflag:s15], $0x8000  }
0xa7: {  	[sflag:s15] =	ssyncset.done $0x0  }
0xa8: {  	[sflag:s15] =	ssyncadd.s32 $0xFFFF8000  }
0xa9: {  	_ =	sfence.sel $0x180000  }
0xaa: {  	[bflag:$0x0] =	sbarrier.arrive $0xFFFF  }
0xab: {  	_ =	strace $0x90000047  }
0xac: {  	s0 =	stileid.u32;
	[bflag:$0x2] =	sbarrier.arrive $0xFFFF  }
0xad: {  	p0 =	sne.s32 s0, $0x0;
	s0 =	rddreg [dreg:$0x2]  }
0xae: {  	s0 =	sadd.s32 @!p0 $0x100000, s0  }
0xaf: {  	[sflag:s0] =	ssyncadd.tile.s32 @!p0 $0x1;
	_ =	shalt  }
.Lfunc_end2:
_tile_overlayer_lowered:
.L_overlay_start_2:
0xb0: {  	(tag) =	ssettag $0x2  }
0xb1: {  	s0 =	rddreg [dreg:$0x0];
	s2 =	stileid.u32  }
0xb2: {  	s1 =	rddreg [dreg:$0x1];
	p0 =	sne.s32 s2, $0x0  }
0xb3: {  	s3 =	rddreg [dreg:$0x2];
	[bflag:$0x3] =	sbarrier.arrive $0xFFFF;
	s2 =	simm.s32 @!p0 $0x1C05  }
0xb4: {  	[timem:s3], [sflag:s2] =	dma.local @!p0 [hbm:s0], s1  }
0xb5: {  	s0 =	simm.s32 @!p0 $0x5  }
0xb6: {  	_ =	swait.ge @!p0 [sflag:s0], s1  }
0xb7: {  	s1 =	ssub.s32 @!p0 $0x0, s1;
	[sflag:s0] =	ssyncset.done @!p0 $0x0  }
0xb8: {  	[sflag:s0] =	ssyncadd.s32 @!p0 s1  }
0xb9: {  	[bflag:$0x3] =	sbarrier.arrive $0xFFFF  }
0xba: {  	_ =	shalt  }

</sc_bundles>
